<compile_context>
chip_gen: v7x
topology: tpu7x:2x2x1
jax: 0.10.2.dev20260603
libtpu: 0.0.44.dev20260713+nightly
codegen_flags: <defaults>
</compile_context>

<pallas_src>
import functools
import math

import jax
import jax.numpy as jnp
from jax import lax
from jax.experimental import pallas as pl
from jax.experimental.pallas import tpu as pltpu
from jax.experimental.pallas import tpu_sc as plsc

_PCT = 0.1
_NC, _NS, _L = 2, 16, 16
_NW = _NC * _NS
_INT_MIN = -(2 ** 31)


def _gat(v, idx):
    return jnp.take_along_axis(v, idx, axis=0)


def _sc_body(n_feat, k, xbits, out, rowbuf, bufa, bufc, hist,
             in_sem, out_sem):
    int_min = jnp.int32(_INT_MIN)
    ones = jnp.ones((_L,), jnp.int32)
    zeros16 = jnp.zeros((_L,), jnp.int32)
    last_idx = jnp.full((_L,), _L - 1, jnp.int32)
    nchunk = n_feat // _L
    rows_per_w = xbits.shape[0] // _NW

    cid = lax.axis_index("c")
    sid = lax.axis_index("s")
    wid = sid * _NC + cid
    row0 = wid * rows_per_w

    def zero_hist(nb):
        @plsc.parallel_loop(0, nb // _L, unroll=8)
        def _z(i):
            hist[pl.ds(i * _L, _L)] = zeros16

    def scan(kprime_v, nb):
        U = 4
        def it(cq, carry):
            acc_v, found_v, brev_v, j0f_v, cgef_v, accf_v = carry
            base = cq * U
            css = [plsc.cumsum(hist[pl.ds((base + uu) * _L, _L)])
                   for uu in range(U)]
            accs = [acc_v]
            for uu in range(U):
                accs.append(accs[-1] + _gat(css[uu], last_idx))
            for uu in range(U):
                cge = accs[uu] + css[uu]
                m = cge >= kprime_v
                pc = plsc.all_reduce_population_count(m)
                j0 = 16 - pc
                fh = jnp.logical_and(found_v == 0, pc > 0)
                brev_v = jnp.where(fh, (base + uu) * _L + j0, brev_v)
                j0f_v = jnp.where(fh, j0, j0f_v)
                cgef_v = jnp.where(fh, cge, cgef_v)
                accf_v = jnp.where(fh, accs[uu], accf_v)
                found_v = jnp.where(pc > 0, jnp.int32(1), found_v)
            return accs[U], found_v, brev_v, j0f_v, cgef_v, accf_v
        init = (zeros16, zeros16, zeros16, zeros16, zeros16, zeros16)
        _, _, brev_v, j0f_v, cgef_v, accf_v = lax.fori_loop(
            0, nb // _L // U, it, init)
        cnt_gt_v = jnp.where(j0f_v == 0, accf_v,
                             _gat(cgef_v, jnp.maximum(j0f_v - 1, 0)))
        return brev_v, cnt_gt_v

    pltpu.sync_copy(xbits.at[row0], rowbuf)

    def row_fn(r, carry):
        row = row0 + r

        zero_hist(2048)

        @plsc.parallel_loop(0, nchunk, unroll=8)
        def _sweep_a(i):
            off = i * _L
            v = plsc.bitcast(rowbuf[pl.ds(off, _L)], jnp.int32)
            mag = v & jnp.int32(0x7FFFFFFF)
            u = jnp.where(mag == 0, int_min,
                          jnp.where(v < 0, ~v, v | int_min))
            bufa[pl.ds(off, _L)] = u
            rb = lax.shift_right_logical(~u, 21)
            plsc.addupdate_scatter(hist, [rb], ones)

        @pl.when(r < rows_per_w - 1)
        def _():
            pltpu.make_async_copy(xbits.at[row + 1], rowbuf, in_sem).start()

        kprime_v = jnp.full((_L,), k, jnp.int32)
        brev_v, cnt_gt_v = scan(kprime_v, 2048)
        kprime_v = kprime_v - cnt_gt_v
        prefix_rev_v = brev_v

        for shift, width, nb in ((10, 11, 2048), (0, 10, 1024)):
            zero_hist(nb)
            fmask = jnp.int32(nb - 1)

            def _sweep(i, shift=shift, width=width, fmask=fmask,
                       pfx=prefix_rev_v):
                u = bufa[pl.ds(i * _L, _L)]
                nv = ~u
                take = lax.shift_right_logical(nv, shift + width) == pfx
                rb = lax.shift_right_logical(nv, shift) & fmask
                plsc.addupdate_scatter(hist, [rb], ones, mask=take)
            plsc.parallel_loop(0, nchunk, unroll=8)(_sweep)
            brev_v, cnt_gt_v = scan(kprime_v, nb)
            kprime_v = kprime_v - cnt_gt_v
            prefix_rev_v = lax.shift_left(prefix_rev_v, width) | brev_v

        key_thr_v = ~prefix_rev_v ^ int_min

        @pl.when(r > 0)
        def _():
            pltpu.make_async_copy(bufc, out.at[row - 1], out_sem).wait()

        @plsc.parallel_loop(0, nchunk, unroll=8)
        def _sweep_m(i):
            off = i * _L
            u = bufa[pl.ds(off, _L)]
            key = u ^ int_min
            bits = jnp.where(key < 0, ~u, key)
            keep = key >= key_thr_v
            bufc[pl.ds(off, _L)] = plsc.bitcast(
                jnp.where(keep, bits, jnp.int32(0)), jnp.float32)

        pltpu.make_async_copy(bufc, out.at[row], out_sem).start()

        @pl.when(r < rows_per_w - 1)
        def _():
            pltpu.make_async_copy(xbits.at[row + 1], rowbuf, in_sem).wait()
        return carry

    lax.fori_loop(0, rows_per_w, row_fn, 0)
    pltpu.make_async_copy(bufc, out.at[row0 + rows_per_w - 1],
                          out_sem).wait()


def kernel(x):
    n_rows, n_feat = x.shape
    k = max(1, math.ceil(n_feat * _PCT))

    mesh = plsc.VectorSubcoreMesh(core_axis_name="c", subcore_axis_name="s",
                                  num_cores=_NC, num_subcores=_NS)
    body = functools.partial(_sc_body, n_feat, k)
    return pl.kernel(
        body,
        out_type=jax.ShapeDtypeStruct((n_rows, n_feat), jnp.float32),
        mesh=mesh,
        scratch_types=[
            pltpu.VMEM((n_feat,), jnp.float32),
            pltpu.VMEM((n_feat,), jnp.int32),
            pltpu.VMEM((n_feat,), jnp.float32),
            pltpu.VMEM((2048,), jnp.int32),
            pltpu.SemaphoreType.DMA,
            pltpu.SemaphoreType.DMA,
        ],
        compiler_params=pltpu.CompilerParams(needs_layout_passes=False),
    )(x)

# --- scband reference (transcript-rebuilt; emitter-appended) ---
"""Pipeline reference for scband-ksparse-79319456022795 (READ-ONLY COPY).

The authoritative reference and input builder live on the scoring server;
editing this copy changes nothing except your own understanding.
"""

import jax, jax.numpy as jnp
import numpy as np
import math

PERCENTAGE = 0.1

def setup_inputs(seed: int = 0) -> dict:
    key = jax.random.key(seed)
    x = jax.random.normal(key, (128, 32768), dtype=jnp.float32)
    return {"x": x}

def reference(x):
    # torch.kthvalue(x, num_features - k + 1) == k-th largest value per row,
    # which equals the last element of lax.top_k(x, k).
    num_features = x.shape[1]
    k = max(1, math.ceil(num_features * PERCENTAGE))
    topk_vals, _ = jax.lax.top_k(x, k)
    kth_values = topk_vals[:, k - 1:k]  # (batch, 1)
    mask = jnp.where(x >= kth_values, 1.0, 0.0).astype(x.dtype)
    return x * mask

if __name__ == "__main__":
    import jax
    _d = setup_inputs()
    print(jax.jit(kernel)(*tuple(_d.values())))

</pallas_src>

<mosaic_0001>
#map = affine_map<(d0, d1) -> (0, 0)>
module attributes {stable_mosaic.version = 14 : i64} {
  func.func @_sc_body(%arg0: i32, %arg1: i32, %arg2: memref<128x32768xf32, #tpu.memory_space<hbm>>, %arg3: memref<128x32768xf32, #tpu.memory_space<hbm>>, %arg4: memref<32768xf32, #tpu.memory_space<vmem>>, %arg5: memref<32768xi32, #tpu.memory_space<vmem>>, %arg6: memref<32768xf32, #tpu.memory_space<vmem>>, %arg7: memref<2048xi32, #tpu.memory_space<vmem>>, %arg8: memref<!tpu.dma_semaphore, #tpu.memory_space<semaphore_mem>>, %arg9: memref<!tpu.dma_semaphore, #tpu.memory_space<semaphore_mem>>) attributes {dimension_semantics = [#tpu.dimension_semantics<core_parallel>, #tpu.dimension_semantics<subcore_parallel>], iteration_bounds = array<i64: 2, 16>, scalar_prefetch = 0 : i64, scratch_operands = 6 : i64, tpu.core_type = #tpu.core_type<sc_vector_subcore>, window_params = [{transform_indices = #map}, {transform_indices = #map}]} {
    %broadcast_in_dim3A = arith.constant 1 : i32
    %broadcast_in_dim3A_0 = vector.broadcast %broadcast_in_dim3A : i32 to vector<16xi32>
    %broadcast_in_dim3A_1 = arith.constant 0 : i32
    %broadcast_in_dim3A_2 = vector.broadcast %broadcast_in_dim3A_1 : i32 to vector<16xi32>
    %broadcast_in_dim3A_3 = arith.constant 15 : i32
    %broadcast_in_dim3A_4 = vector.broadcast %broadcast_in_dim3A_3 : i32 to vector<16xi32>
    %mul3A = arith.constant 2 : i32
    %mul3A_5 = arith.muli %arg1, %mul3A : i32
    %add3A = arith.addi %mul3A_5, %arg0 : i32
    %mul3A_6 = arith.constant 4 : i32
    %mul3A_7 = arith.muli %add3A, %mul3A_6 : i32
    "tpu.region"() ({
      %run_scoped3A = tpu.sem_alloc : memref<!tpu.dma_semaphore, #tpu.memory_space<semaphore_mem>>
      %dma_start3A = arith.constant 0 : i32
      %dma_start3A_22 = tpu.memref_slice %arg2[%mul3A_7, %dma_start3A] : memref<128x32768xf32, #tpu.memory_space<hbm>> -> memref<1x32768xf32, #tpu.memory_space<hbm>>
      %dma_start3A_23 = tpu.memref_squeeze %dma_start3A_22 : memref<1x32768xf32, #tpu.memory_space<hbm>> -> memref<32768xf32, #tpu.memory_space<hbm>>
      %dma_start3A_24 = arith.constant 0 : i32
      %dma_start3A_25 = tpu.memref_slice %arg2[%mul3A_7, %dma_start3A_24] : memref<128x32768xf32, #tpu.memory_space<hbm>> -> memref<1x32768xf32, #tpu.memory_space<hbm>>
      %dma_start3A_26 = tpu.memref_squeeze %dma_start3A_25 : memref<1x32768xf32, #tpu.memory_space<hbm>> -> memref<32768xf32, #tpu.memory_space<hbm>>
      tpu.enqueue_dma source(%dma_start3A_26 : memref<32768xf32, #tpu.memory_space<hbm>>) target(%arg4 : memref<32768xf32, #tpu.memory_space<vmem>>) target_semaphore(%run_scoped3A : memref<!tpu.dma_semaphore, #tpu.memory_space<semaphore_mem>>)
      %dma_wait3A_27 = arith.constant 0 : i32
      %dma_wait3A_28 = tpu.memref_slice %arg2[%mul3A_7, %dma_wait3A_27] : memref<128x32768xf32, #tpu.memory_space<hbm>> -> memref<1x32768xf32, #tpu.memory_space<hbm>>
      %dma_wait3A_29 = tpu.memref_squeeze %dma_wait3A_28 : memref<1x32768xf32, #tpu.memory_space<hbm>> -> memref<32768xf32, #tpu.memory_space<hbm>>
      %dma_wait3A_30 = arith.constant 0 : i32
      %dma_wait3A_31 = tpu.memref_slice %arg2[%mul3A_7, %dma_wait3A_30] : memref<128x32768xf32, #tpu.memory_space<hbm>> -> memref<1x32768xf32, #tpu.memory_space<hbm>>
      %dma_wait3A_32 = tpu.memref_squeeze %dma_wait3A_31 : memref<1x32768xf32, #tpu.memory_space<hbm>> -> memref<32768xf32, #tpu.memory_space<hbm>>
      tpu.wait_dma2 semaphore(%run_scoped3A : memref<!tpu.dma_semaphore, #tpu.memory_space<semaphore_mem>>) src(%dma_wait3A_32 : memref<32768xf32, #tpu.memory_space<hbm>>) dst(%arg4 : memref<32768xf32, #tpu.memory_space<vmem>>)
      tpu.yield
    }) : () -> ()
    %scan3A = arith.constant 0 : i32
    %scan3A_8 = arith.constant -2147483648 : i32
    %scan3A_9 = arith.constant 0 : i32
    %scan3A_10 = arith.constant 4 : i32
    %scan3A_11 = arith.addi %scan3A_9, %scan3A_10 : i32
    %scan3A_12 = arith.constant 1 : i32
    scf.for %scan3A_22 = %scan3A_9 to %scan3A_11 step %scan3A_12  : i32 {
      %add3A_23 = arith.addi %mul3A_7, %scan3A_22 : i32
      %parallel_loop3A = arith.constant 0 : i32
      %parallel_loop3A_24 = arith.constant 128 : i32
      %parallel_loop3A_25 = arith.constant 1 : i32
      scf.for %parallel_loop3A_148 = %parallel_loop3A to %parallel_loop3A_24 step %parallel_loop3A_25  : i32 {
        %parallel_loop3A_149 = arith.constant 16 : i32
        %parallel_loop3A_150 = arith.muli %parallel_loop3A_148, %parallel_loop3A_149 : i32
        %parallel_loop3A_151 = arith.index_cast %parallel_loop3A_150 : i32 to index
        %parallel_loop3A_152 = tpu.vector_load %arg7[%parallel_loop3A_151] {strides = array<i32>} : memref<2048xi32, #tpu.memory_space<vmem>>, vector<16xi32>,
        tpu.vector_store %arg7[%parallel_loop3A_151], %broadcast_in_dim3A_2 {strides = array<i32>} : memref<2048xi32, #tpu.memory_space<vmem>>, vector<16xi32>,
      } {sc.loop_unroll_factor = 8 : i64, sc.parallel_access}
      %parallel_loop3A_26 = arith.constant 0 : i32
      %parallel_loop3A_27 = arith.constant 2048 : i32
      %parallel_loop3A_28 = arith.constant 1 : i32
      scf.for %parallel_loop3A_148 = %parallel_loop3A_26 to %parallel_loop3A_27 step %parallel_loop3A_28  : i32 {
        %parallel_loop3A_149 = arith.constant 16 : i32
        %parallel_loop3A_150 = arith.muli %parallel_loop3A_148, %parallel_loop3A_149 : i32
        %parallel_loop3A_151 = arith.index_cast %parallel_loop3A_150 : i32 to index
        %parallel_loop3A_152 = tpu.vector_load %arg4[%parallel_loop3A_151] {strides = array<i32>} : memref<32768xf32, #tpu.memory_space<vmem>>, vector<16xf32>,
        %parallel_loop3A_153 = vector.bitcast %parallel_loop3A_152 : vector<16xf32> to vector<16xi32>
        %parallel_loop3A_154 = arith.constant 2147483647 : i32
        %parallel_loop3A_155 = vector.broadcast %parallel_loop3A_154 : i32 to vector<16xi32>
        %parallel_loop3A_156 = arith.andi %parallel_loop3A_153, %parallel_loop3A_155 : vector<16xi32>
        %parallel_loop3A_157 = arith.constant 0 : i32
        %parallel_loop3A_158 = vector.broadcast %parallel_loop3A_157 : i32 to vector<16xi32>
        %parallel_loop3A_159 = arith.cmpi eq, %parallel_loop3A_156, %parallel_loop3A_158 : vector<16xi32>
        %parallel_loop3A_160 = arith.constant 0 : i32
        %parallel_loop3A_161 = vector.broadcast %parallel_loop3A_160 : i32 to vector<16xi32>
        %parallel_loop3A_162 = arith.cmpi slt, %parallel_loop3A_153, %parallel_loop3A_161 : vector<16xi32>
        %parallel_loop3A_163 = arith.constant dense<-1> : vector<16xi32>
        %parallel_loop3A_164 = arith.xori %parallel_loop3A_153, %parallel_loop3A_163 : vector<16xi32>
        %parallel_loop3A_165 = vector.broadcast %scan3A_8 : i32 to vector<16xi32>
        %parallel_loop3A_166 = arith.ori %parallel_loop3A_153, %parallel_loop3A_165 : vector<16xi32>
        %parallel_loop3A_167 = arith.select %parallel_loop3A_162, %parallel_loop3A_164, %parallel_loop3A_166 : vector<16xi1>, vector<16xi32>
        %parallel_loop3A_168 = vector.broadcast %scan3A_8 : i32 to vector<16xi32>
        %parallel_loop3A_169 = arith.select %parallel_loop3A_159, %parallel_loop3A_168, %parallel_loop3A_167 : vector<16xi1>, vector<16xi32>
        %parallel_loop3A_170 = arith.index_cast %parallel_loop3A_150 : i32 to index
        %parallel_loop3A_171 = tpu.vector_load %arg5[%parallel_loop3A_170] {strides = array<i32>} : memref<32768xi32, #tpu.memory_space<vmem>>, vector<16xi32>,
        tpu.vector_store %arg5[%parallel_loop3A_170], %parallel_loop3A_169 {strides = array<i32>} : memref<32768xi32, #tpu.memory_space<vmem>>, vector<16xi32>,
        %parallel_loop3A_172 = arith.constant dense<-1> : vector<16xi32>
        %parallel_loop3A_173 = arith.xori %parallel_loop3A_169, %parallel_loop3A_172 : vector<16xi32>
        %parallel_loop3A_174 = arith.constant 21 : i32
        %parallel_loop3A_175 = vector.broadcast %parallel_loop3A_174 : i32 to vector<16xi32>
        %parallel_loop3A_176 = arith.shrui %parallel_loop3A_173, %parallel_loop3A_175 : vector<16xi32>
        tpu.vector_store_idx %arg7[%parallel_loop3A_176], %broadcast_in_dim3A_0 {add = true} : memref<2048xi32, #tpu.memory_space<vmem>>[vector<16xi32>], vector<16xi32>,
      } {sc.loop_unroll_factor = 8 : i64, sc.parallel_access}
      %lt3A = arith.constant 3 : i32
      %lt3A_29 = arith.cmpi slt, %scan3A_22, %lt3A : i32
      %convert_element_type3A = arith.extui %lt3A_29 : i1 to i32
      %cond3A = arith.constant 0 : i32
      %cond3A_30 = arith.cmpi ne, %convert_element_type3A, %cond3A : i32
      scf.if %cond3A_30 {
        %add3A_148 = arith.constant 1 : i32
        %add3A_149 = arith.addi %add3A_23, %add3A_148 : i32
        %dma_start3A_150 = arith.constant 0 : i32
        %dma_start3A_151 = tpu.memref_slice %arg2[%add3A_149, %dma_start3A_150] : memref<128x32768xf32, #tpu.memory_space<hbm>> -> memref<1x32768xf32, #tpu.memory_space<hbm>>
        %dma_start3A_152 = tpu.memref_squeeze %dma_start3A_151 : memref<1x32768xf32, #tpu.memory_space<hbm>> -> memref<32768xf32, #tpu.memory_space<hbm>>
        %dma_start3A_153 = arith.constant 0 : i32
        %dma_start3A_154 = tpu.memref_slice %arg2[%add3A_149, %dma_start3A_153] : memref<128x32768xf32, #tpu.memory_space<hbm>> -> memref<1x32768xf32, #tpu.memory_space<hbm>>
        %dma_start3A_155 = tpu.memref_squeeze %dma_start3A_154 : memref<1x32768xf32, #tpu.memory_space<hbm>> -> memref<32768xf32, #tpu.memory_space<hbm>>
        tpu.enqueue_dma source(%dma_start3A_155 : memref<32768xf32, #tpu.memory_space<hbm>>) target(%arg4 : memref<32768xf32, #tpu.memory_space<vmem>>) target_semaphore(%arg8 : memref<!tpu.dma_semaphore, #tpu.memory_space<semaphore_mem>>)
      } else {
      }
      %broadcast_in_dim3A_31 = arith.constant 3277 : i32
      %broadcast_in_dim3A_32 = vector.broadcast %broadcast_in_dim3A_31 : i32 to vector<16xi32>
      %scan3A_33 = arith.constant 0 : i32
      %scan3A_34 = arith.constant 32 : i32
      %scan3A_35 = arith.addi %scan3A_33, %scan3A_34 : i32
      %scan3A_36 = arith.constant 1 : i32
      %scan3A_37:6 = scf.for %scan3A_148 = %scan3A_33 to %scan3A_35 step %scan3A_36 iter_args(%scan3A_149 = %broadcast_in_dim3A_2, %scan3A_150 = %broadcast_in_dim3A_2, %scan3A_151 = %broadcast_in_dim3A_2, %scan3A_152 = %broadcast_in_dim3A_2, %scan3A_153 = %broadcast_in_dim3A_2, %scan3A_154 = %broadcast_in_dim3A_2) -> (vector<16xi32>, vector<16xi32>, vector<16xi32>, vector<16xi32>, vector<16xi32>, vector<16xi32>)  : i32 {
        %mul3A_155 = arith.constant 4 : i32
        %mul3A_156 = arith.muli %scan3A_148, %mul3A_155 : i32
        %add3A_157 = arith.constant 0 : i32
        %add3A_158 = arith.addi %mul3A_156, %add3A_157 : i32
        %mul3A_159 = arith.constant 16 : i32
        %mul3A_160 = arith.muli %add3A_158, %mul3A_159 : i32
        %get3A = arith.index_cast %mul3A_160 : i32 to index
        %get3A_161 = tpu.vector_load %arg7[%get3A] {strides = array<i32>} : memref<2048xi32, #tpu.memory_space<vmem>>, vector<16xi32>,
        %broadcast_in_dim3A_162 = arith.constant true
        %broadcast_in_dim3A_163 = vector.broadcast %broadcast_in_dim3A_162 : i1 to vector<16xi1>
        %masked_cumsum3A = tpu.scan <sum>, %get3A_161 masked %broadcast_in_dim3A_163 : vector<16xi32>, vector<16xi1> -> vector<16xi32>
        %add3A_164 = arith.constant 1 : i32
        %add3A_165 = arith.addi %mul3A_156, %add3A_164 : i32
        %mul3A_166 = arith.constant 16 : i32
        %mul3A_167 = arith.muli %add3A_165, %mul3A_166 : i32
        %get3A_168 = arith.index_cast %mul3A_167 : i32 to index
        %get3A_169 = tpu.vector_load %arg7[%get3A_168] {strides = array<i32>} : memref<2048xi32, #tpu.memory_space<vmem>>, vector<16xi32>,
        %broadcast_in_dim3A_170 = arith.constant true
        %broadcast_in_dim3A_171 = vector.broadcast %broadcast_in_dim3A_170 : i1 to vector<16xi1>
        %masked_cumsum3A_172 = tpu.scan <sum>, %get3A_169 masked %broadcast_in_dim3A_171 : vector<16xi32>, vector<16xi1> -> vector<16xi32>
        %add3A_173 = arith.constant 2 : i32
        %add3A_174 = arith.addi %mul3A_156, %add3A_173 : i32
        %mul3A_175 = arith.constant 16 : i32
        %mul3A_176 = arith.muli %add3A_174, %mul3A_175 : i32
        %get3A_177 = arith.index_cast %mul3A_176 : i32 to index
        %get3A_178 = tpu.vector_load %arg7[%get3A_177] {strides = array<i32>} : memref<2048xi32, #tpu.memory_space<vmem>>, vector<16xi32>,
        %broadcast_in_dim3A_179 = arith.constant true
        %broadcast_in_dim3A_180 = vector.broadcast %broadcast_in_dim3A_179 : i1 to vector<16xi1>
        %masked_cumsum3A_181 = tpu.scan <sum>, %get3A_178 masked %broadcast_in_dim3A_180 : vector<16xi32>, vector<16xi1> -> vector<16xi32>
        %add3A_182 = arith.constant 3 : i32
        %add3A_183 = arith.addi %mul3A_156, %add3A_182 : i32
        %mul3A_184 = arith.constant 16 : i32
        %mul3A_185 = arith.muli %add3A_183, %mul3A_184 : i32
        %get3A_186 = arith.index_cast %mul3A_185 : i32 to index
        %get3A_187 = tpu.vector_load %arg7[%get3A_186] {strides = array<i32>} : memref<2048xi32, #tpu.memory_space<vmem>>, vector<16xi32>,
        %broadcast_in_dim3A_188 = arith.constant true
        %broadcast_in_dim3A_189 = vector.broadcast %broadcast_in_dim3A_188 : i1 to vector<16xi1>
        %masked_cumsum3A_190 = tpu.scan <sum>, %get3A_187 masked %broadcast_in_dim3A_189 : vector<16xi32>, vector<16xi1> -> vector<16xi32>
        %lt3A_191 = arith.constant 0 : i32
        %lt3A_192 = vector.broadcast %lt3A_191 : i32 to vector<16xi32>
        %lt3A_193 = arith.cmpi slt, %broadcast_in_dim3A_4, %lt3A_192 : vector<16xi32>
        %add3A_194 = arith.constant 16 : i32
        %add3A_195 = vector.broadcast %add3A_194 : i32 to vector<16xi32>
        %add3A_196 = arith.addi %broadcast_in_dim3A_4, %add3A_195 : vector<16xi32>
        %select_n3A_197 = arith.select %lt3A_193, %add3A_196, %broadcast_in_dim3A_4 : vector<16xi1>, vector<16xi32>
        %reshape3A_198 = vector.shape_cast %select_n3A_197 : vector<16xi32> to vector<16x1xi32>
        %gather3A_199 = vector.shape_cast %reshape3A_198 : vector<16x1xi32> to vector<16xi32>
        %gather3A_200 = tpu.dynamic_gather %masked_cumsum3A[%gather3A_199] in [0] : vector<16xi32>, vector<16xi32> -> vector<16xi32>
        %add3A_201 = arith.addi %scan3A_149, %gather3A_200 : vector<16xi32>
        %lt3A_202 = arith.constant 0 : i32
        %lt3A_203 = vector.broadcast %lt3A_202 : i32 to vector<16xi32>
        %lt3A_204 = arith.cmpi slt, %broadcast_in_dim3A_4, %lt3A_203 : vector<16xi32>
        %add3A_205 = arith.constant 16 : i32
        %add3A_206 = vector.broadcast %add3A_205 : i32 to vector<16xi32>
        %add3A_207 = arith.addi %broadcast_in_dim3A_4, %add3A_206 : vector<16xi32>
        %select_n3A_208 = arith.select %lt3A_204, %add3A_207, %broadcast_in_dim3A_4 : vector<16xi1>, vector<16xi32>
        %reshape3A_209 = vector.shape_cast %select_n3A_208 : vector<16xi32> to vector<16x1xi32>
        %gather3A_210 = vector.shape_cast %reshape3A_209 : vector<16x1xi32> to vector<16xi32>
        %gather3A_211 = tpu.dynamic_gather %masked_cumsum3A_172[%gather3A_210] in [0] : vector<16xi32>, vector<16xi32> -> vector<16xi32>
        %add3A_212 = arith.addi %add3A_201, %gather3A_211 : vector<16xi32>
        %lt3A_213 = arith.constant 0 : i32
        %lt3A_214 = vector.broadcast %lt3A_213 : i32 to vector<16xi32>
        %lt3A_215 = arith.cmpi slt, %broadcast_in_dim3A_4, %lt3A_214 : vector<16xi32>
        %add3A_216 = arith.constant 16 : i32
        %add3A_217 = vector.broadcast %add3A_216 : i32 to vector<16xi32>
        %add3A_218 = arith.addi %broadcast_in_dim3A_4, %add3A_217 : vector<16xi32>
        %select_n3A_219 = arith.select %lt3A_215, %add3A_218, %broadcast_in_dim3A_4 : vector<16xi1>, vector<16xi32>
        %reshape3A_220 = vector.shape_cast %select_n3A_219 : vector<16xi32> to vector<16x1xi32>
        %gather3A_221 = vector.shape_cast %reshape3A_220 : vector<16x1xi32> to vector<16xi32>
        %gather3A_222 = tpu.dynamic_gather %masked_cumsum3A_181[%gather3A_221] in [0] : vector<16xi32>, vector<16xi32> -> vector<16xi32>
        %add3A_223 = arith.addi %add3A_212, %gather3A_222 : vector<16xi32>
        %lt3A_224 = arith.constant 0 : i32
        %lt3A_225 = vector.broadcast %lt3A_224 : i32 to vector<16xi32>
        %lt3A_226 = arith.cmpi slt, %broadcast_in_dim3A_4, %lt3A_225 : vector<16xi32>
        %add3A_227 = arith.constant 16 : i32
        %add3A_228 = vector.broadcast %add3A_227 : i32 to vector<16xi32>
        %add3A_229 = arith.addi %broadcast_in_dim3A_4, %add3A_228 : vector<16xi32>
        %select_n3A_230 = arith.select %lt3A_226, %add3A_229, %broadcast_in_dim3A_4 : vector<16xi1>, vector<16xi32>
        %reshape3A_231 = vector.shape_cast %select_n3A_230 : vector<16xi32> to vector<16x1xi32>
        %gather3A_232 = vector.shape_cast %reshape3A_231 : vector<16x1xi32> to vector<16xi32>
        %gather3A_233 = tpu.dynamic_gather %masked_cumsum3A_190[%gather3A_232] in [0] : vector<16xi32>, vector<16xi32> -> vector<16xi32>
        %add3A_234 = arith.addi %add3A_223, %gather3A_233 : vector<16xi32>
        %add3A_235 = arith.addi %scan3A_149, %masked_cumsum3A : vector<16xi32>
        %ge3A = arith.cmpi sge, %add3A_235, %broadcast_in_dim3A_32 : vector<16xi32>
        %all_reduce_population_count3A = tpu.all_reduce %ge3A {dim = 0 : i64, kind = #tpu.reduction_kind<sum>} : vector<16xi1> -> vector<16xi32>
        %sub3A_236 = arith.constant 16 : i32
        %sub3A_237 = vector.broadcast %sub3A_236 : i32 to vector<16xi32>
        %sub3A_238 = arith.subi %sub3A_237, %all_reduce_population_count3A : vector<16xi32>
        %eq3A_239 = arith.constant 0 : i32
        %eq3A_240 = vector.broadcast %eq3A_239 : i32 to vector<16xi32>
        %eq3A_241 = arith.cmpi eq, %scan3A_150, %eq3A_240 : vector<16xi32>
        %gt3A_242 = arith.constant 0 : i32
        %gt3A_243 = vector.broadcast %gt3A_242 : i32 to vector<16xi32>
        %gt3A_244 = arith.cmpi sgt, %all_reduce_population_count3A, %gt3A_243 : vector<16xi32>
        %and3A = arith.andi %eq3A_241, %gt3A_244 : vector<16xi1>
        %add3A_245 = arith.constant 0 : i32
        %add3A_246 = arith.addi %mul3A_156, %add3A_245 : i32
        %mul3A_247 = arith.constant 16 : i32
        %mul3A_248 = arith.muli %add3A_246, %mul3A_247 : i32
        %add3A_249 = vector.broadcast %mul3A_248 : i32 to vector<16xi32>
        %add3A_250 = arith.addi %add3A_249, %sub3A_238 : vector<16xi32>
        %select_n3A_251 = arith.select %and3A, %add3A_250, %scan3A_151 : vector<16xi1>, vector<16xi32>
        %select_n3A_252 = arith.select %and3A, %sub3A_238, %scan3A_152 : vector<16xi1>, vector<16xi32>
        %select_n3A_253 = arith.select %and3A, %add3A_235, %scan3A_153 : vector<16xi1>, vector<16xi32>
        %select_n3A_254 = arith.select %and3A, %scan3A_149, %scan3A_154 : vector<16xi1>, vector<16xi32>
        %gt3A_255 = arith.constant 0 : i32
        %gt3A_256 = vector.broadcast %gt3A_255 : i32 to vector<16xi32>
        %gt3A_257 = arith.cmpi sgt, %all_reduce_population_count3A, %gt3A_256 : vector<16xi32>
        %jit3A = arith.constant 1 : i32
        %broadcast_in_dim3A_258 = vector.broadcast %jit3A : i32 to vector<16xi32>
        %select_n3A_259 = arith.select %gt3A_257, %broadcast_in_dim3A_258, %scan3A_150 : vector<16xi1>, vector<16xi32>
        %add3A_260 = arith.addi %add3A_201, %masked_cumsum3A_172 : vector<16xi32>
        %ge3A_261 = arith.cmpi sge, %add3A_260, %broadcast_in_dim3A_32 : vector<16xi32>
        %all_reduce_population_count3A_262 = tpu.all_reduce %ge3A_261 {dim = 0 : i64, kind = #tpu.reduction_kind<sum>} : vector<16xi1> -> vector<16xi32>
        %sub3A_263 = arith.constant 16 : i32
        %sub3A_264 = vector.broadcast %sub3A_263 : i32 to vector<16xi32>
        %sub3A_265 = arith.subi %sub3A_264, %all_reduce_population_count3A_262 : vector<16xi32>
        %eq3A_266 = arith.constant 0 : i32
        %eq3A_267 = vector.broadcast %eq3A_266 : i32 to vector<16xi32>
        %eq3A_268 = arith.cmpi eq, %select_n3A_259, %eq3A_267 : vector<16xi32>
        %gt3A_269 = arith.constant 0 : i32
        %gt3A_270 = vector.broadcast %gt3A_269 : i32 to vector<16xi32>
        %gt3A_271 = arith.cmpi sgt, %all_reduce_population_count3A_262, %gt3A_270 : vector<16xi32>
        %and3A_272 = arith.andi %eq3A_268, %gt3A_271 : vector<16xi1>
        %add3A_273 = arith.constant 1 : i32
        %add3A_274 = arith.addi %mul3A_156, %add3A_273 : i32
        %mul3A_275 = arith.constant 16 : i32
        %mul3A_276 = arith.muli %add3A_274, %mul3A_275 : i32
        %add3A_277 = vector.broadcast %mul3A_276 : i32 to vector<16xi32>
        %add3A_278 = arith.addi %add3A_277, %sub3A_265 : vector<16xi32>
        %select_n3A_279 = arith.select %and3A_272, %add3A_278, %select_n3A_251 : vector<16xi1>, vector<16xi32>
        %select_n3A_280 = arith.select %and3A_272, %sub3A_265, %select_n3A_252 : vector<16xi1>, vector<16xi32>
        %select_n3A_281 = arith.select %and3A_272, %add3A_260, %select_n3A_253 : vector<16xi1>, vector<16xi32>
        %select_n3A_282 = arith.select %and3A_272, %add3A_201, %select_n3A_254 : vector<16xi1>, vector<16xi32>
        %gt3A_283 = arith.constant 0 : i32
        %gt3A_284 = vector.broadcast %gt3A_283 : i32 to vector<16xi32>
        %gt3A_285 = arith.cmpi sgt, %all_reduce_population_count3A_262, %gt3A_284 : vector<16xi32>
        %jit3A_286 = arith.constant 1 : i32
        %broadcast_in_dim3A_287 = vector.broadcast %jit3A_286 : i32 to vector<16xi32>
        %select_n3A_288 = arith.select %gt3A_285, %broadcast_in_dim3A_287, %select_n3A_259 : vector<16xi1>, vector<16xi32>
        %add3A_289 = arith.addi %add3A_212, %masked_cumsum3A_181 : vector<16xi32>
        %ge3A_290 = arith.cmpi sge, %add3A_289, %broadcast_in_dim3A_32 : vector<16xi32>
        %all_reduce_population_count3A_291 = tpu.all_reduce %ge3A_290 {dim = 0 : i64, kind = #tpu.reduction_kind<sum>} : vector<16xi1> -> vector<16xi32>
        %sub3A_292 = arith.constant 16 : i32
        %sub3A_293 = vector.broadcast %sub3A_292 : i32 to vector<16xi32>
        %sub3A_294 = arith.subi %sub3A_293, %all_reduce_population_count3A_291 : vector<16xi32>
        %eq3A_295 = arith.constant 0 : i32
        %eq3A_296 = vector.broadcast %eq3A_295 : i32 to vector<16xi32>
        %eq3A_297 = arith.cmpi eq, %select_n3A_288, %eq3A_296 : vector<16xi32>
        %gt3A_298 = arith.constant 0 : i32
        %gt3A_299 = vector.broadcast %gt3A_298 : i32 to vector<16xi32>
        %gt3A_300 = arith.cmpi sgt, %all_reduce_population_count3A_291, %gt3A_299 : vector<16xi32>
        %and3A_301 = arith.andi %eq3A_297, %gt3A_300 : vector<16xi1>
        %add3A_302 = arith.constant 2 : i32
        %add3A_303 = arith.addi %mul3A_156, %add3A_302 : i32
        %mul3A_304 = arith.constant 16 : i32
        %mul3A_305 = arith.muli %add3A_303, %mul3A_304 : i32
        %add3A_306 = vector.broadcast %mul3A_305 : i32 to vector<16xi32>
        %add3A_307 = arith.addi %add3A_306, %sub3A_294 : vector<16xi32>
        %select_n3A_308 = arith.select %and3A_301, %add3A_307, %select_n3A_279 : vector<16xi1>, vector<16xi32>
        %select_n3A_309 = arith.select %and3A_301, %sub3A_294, %select_n3A_280 : vector<16xi1>, vector<16xi32>
        %select_n3A_310 = arith.select %and3A_301, %add3A_289, %select_n3A_281 : vector<16xi1>, vector<16xi32>
        %select_n3A_311 = arith.select %and3A_301, %add3A_212, %select_n3A_282 : vector<16xi1>, vector<16xi32>
        %gt3A_312 = arith.constant 0 : i32
        %gt3A_313 = vector.broadcast %gt3A_312 : i32 to vector<16xi32>
        %gt3A_314 = arith.cmpi sgt, %all_reduce_population_count3A_291, %gt3A_313 : vector<16xi32>
        %jit3A_315 = arith.constant 1 : i32
        %broadcast_in_dim3A_316 = vector.broadcast %jit3A_315 : i32 to vector<16xi32>
        %select_n3A_317 = arith.select %gt3A_314, %broadcast_in_dim3A_316, %select_n3A_288 : vector<16xi1>, vector<16xi32>
        %add3A_318 = arith.addi %add3A_223, %masked_cumsum3A_190 : vector<16xi32>
        %ge3A_319 = arith.cmpi sge, %add3A_318, %broadcast_in_dim3A_32 : vector<16xi32>
        %all_reduce_population_count3A_320 = tpu.all_reduce %ge3A_319 {dim = 0 : i64, kind = #tpu.reduction_kind<sum>} : vector<16xi1> -> vector<16xi32>
        %sub3A_321 = arith.constant 16 : i32
        %sub3A_322 = vector.broadcast %sub3A_321 : i32 to vector<16xi32>
        %sub3A_323 = arith.subi %sub3A_322, %all_reduce_population_count3A_320 : vector<16xi32>
        %eq3A_324 = arith.constant 0 : i32
        %eq3A_325 = vector.broadcast %eq3A_324 : i32 to vector<16xi32>
        %eq3A_326 = arith.cmpi eq, %select_n3A_317, %eq3A_325 : vector<16xi32>
        %gt3A_327 = arith.constant 0 : i32
        %gt3A_328 = vector.broadcast %gt3A_327 : i32 to vector<16xi32>
        %gt3A_329 = arith.cmpi sgt, %all_reduce_population_count3A_320, %gt3A_328 : vector<16xi32>
        %and3A_330 = arith.andi %eq3A_326, %gt3A_329 : vector<16xi1>
        %add3A_331 = arith.constant 3 : i32
        %add3A_332 = arith.addi %mul3A_156, %add3A_331 : i32
        %mul3A_333 = arith.constant 16 : i32
        %mul3A_334 = arith.muli %add3A_332, %mul3A_333 : i32
        %add3A_335 = vector.broadcast %mul3A_334 : i32 to vector<16xi32>
        %add3A_336 = arith.addi %add3A_335, %sub3A_323 : vector<16xi32>
        %select_n3A_337 = arith.select %and3A_330, %add3A_336, %select_n3A_308 : vector<16xi1>, vector<16xi32>
        %select_n3A_338 = arith.select %and3A_330, %sub3A_323, %select_n3A_309 : vector<16xi1>, vector<16xi32>
        %select_n3A_339 = arith.select %and3A_330, %add3A_318, %select_n3A_310 : vector<16xi1>, vector<16xi32>
        %select_n3A_340 = arith.select %and3A_330, %add3A_223, %select_n3A_311 : vector<16xi1>, vector<16xi32>
        %gt3A_341 = arith.constant 0 : i32
        %gt3A_342 = vector.broadcast %gt3A_341 : i32 to vector<16xi32>
        %gt3A_343 = arith.cmpi sgt, %all_reduce_population_count3A_320, %gt3A_342 : vector<16xi32>
        %jit3A_344 = arith.constant 1 : i32
        %broadcast_in_dim3A_345 = vector.broadcast %jit3A_344 : i32 to vector<16xi32>
        %select_n3A_346 = arith.select %gt3A_343, %broadcast_in_dim3A_345, %select_n3A_317 : vector<16xi1>, vector<16xi32>
        scf.yield %add3A_234, %select_n3A_346, %select_n3A_337, %select_n3A_338, %select_n3A_339, %select_n3A_340 : vector<16xi32>, vector<16xi32>, vector<16xi32>, vector<16xi32>, vector<16xi32>, vector<16xi32>
      }
      %scan3A_38 = arith.constant 32 : i32
      %eq3A = arith.constant 0 : i32
      %eq3A_39 = vector.broadcast %eq3A : i32 to vector<16xi32>
      %eq3A_40 = arith.cmpi eq, %scan3A_37#3, %eq3A_39 : vector<16xi32>
      %sub3A_41 = arith.constant 1 : i32
      %sub3A_42 = vector.broadcast %sub3A_41 : i32 to vector<16xi32>
      %sub3A_43 = arith.subi %scan3A_37#3, %sub3A_42 : vector<16xi32>
      %max3A = arith.constant 0 : i32
      %max3A_44 = vector.broadcast %max3A : i32 to vector<16xi32>
      %max3A_45 = arith.maxsi %sub3A_43, %max3A_44 : vector<16xi32>
      %lt3A_46 = arith.constant 0 : i32
      %lt3A_47 = vector.broadcast %lt3A_46 : i32 to vector<16xi32>
      %lt3A_48 = arith.cmpi slt, %max3A_45, %lt3A_47 : vector<16xi32>
      %add3A_49 = arith.constant 16 : i32
      %add3A_50 = vector.broadcast %add3A_49 : i32 to vector<16xi32>
      %add3A_51 = arith.addi %max3A_45, %add3A_50 : vector<16xi32>
      %select_n3A = arith.select %lt3A_48, %add3A_51, %max3A_45 : vector<16xi1>, vector<16xi32>
      %reshape3A = vector.shape_cast %select_n3A : vector<16xi32> to vector<16x1xi32>
      %gather3A = vector.shape_cast %reshape3A : vector<16x1xi32> to vector<16xi32>
      %gather3A_52 = tpu.dynamic_gather %scan3A_37#4[%gather3A] in [0] : vector<16xi32>, vector<16xi32> -> vector<16xi32>
      %select_n3A_53 = arith.select %eq3A_40, %scan3A_37#5, %gather3A_52 : vector<16xi1>, vector<16xi32>
      %sub3A_54 = arith.subi %broadcast_in_dim3A_32, %select_n3A_53 : vector<16xi32>
      %parallel_loop3A_55 = arith.constant 0 : i32
      %parallel_loop3A_56 = arith.constant 128 : i32
      %parallel_loop3A_57 = arith.constant 1 : i32
      scf.for %parallel_loop3A_148 = %parallel_loop3A_55 to %parallel_loop3A_56 step %parallel_loop3A_57  : i32 {
        %parallel_loop3A_149 = arith.constant 16 : i32
        %parallel_loop3A_150 = arith.muli %parallel_loop3A_148, %parallel_loop3A_149 : i32
        %parallel_loop3A_151 = arith.index_cast %parallel_loop3A_150 : i32 to index
        %parallel_loop3A_152 = tpu.vector_load %arg7[%parallel_loop3A_151] {strides = array<i32>} : memref<2048xi32, #tpu.memory_space<vmem>>, vector<16xi32>,
        tpu.vector_store %arg7[%parallel_loop3A_151], %broadcast_in_dim3A_2 {strides = array<i32>} : memref<2048xi32, #tpu.memory_space<vmem>>, vector<16xi32>,
      } {sc.loop_unroll_factor = 8 : i64, sc.parallel_access}
      %parallel_loop3A_58 = arith.constant 0 : i32
      %parallel_loop3A_59 = arith.constant 2048 : i32
      %parallel_loop3A_60 = arith.constant 1 : i32
      %parallel_loop3A_61 = arith.constant 2047 : i32
      scf.for %parallel_loop3A_148 = %parallel_loop3A_58 to %parallel_loop3A_59 step %parallel_loop3A_60  : i32 {
        %parallel_loop3A_149 = arith.constant 16 : i32
        %parallel_loop3A_150 = arith.muli %parallel_loop3A_148, %parallel_loop3A_149 : i32
        %parallel_loop3A_151 = arith.index_cast %parallel_loop3A_150 : i32 to index
        %parallel_loop3A_152 = tpu.vector_load %arg5[%parallel_loop3A_151] {strides = array<i32>} : memref<32768xi32, #tpu.memory_space<vmem>>, vector<16xi32>,
        %parallel_loop3A_153 = arith.constant dense<-1> : vector<16xi32>
        %parallel_loop3A_154 = arith.xori %parallel_loop3A_152, %parallel_loop3A_153 : vector<16xi32>
        %parallel_loop3A_155 = arith.constant 21 : i32
        %parallel_loop3A_156 = vector.broadcast %parallel_loop3A_155 : i32 to vector<16xi32>
        %parallel_loop3A_157 = arith.shrui %parallel_loop3A_154, %parallel_loop3A_156 : vector<16xi32>
        %parallel_loop3A_158 = arith.cmpi eq, %parallel_loop3A_157, %scan3A_37#2 : vector<16xi32>
        %parallel_loop3A_159 = arith.constant 10 : i32
        %parallel_loop3A_160 = vector.broadcast %parallel_loop3A_159 : i32 to vector<16xi32>
        %parallel_loop3A_161 = arith.shrui %parallel_loop3A_154, %parallel_loop3A_160 : vector<16xi32>
        %parallel_loop3A_162 = vector.broadcast %parallel_loop3A_61 : i32 to vector<16xi32>
        %parallel_loop3A_163 = arith.andi %parallel_loop3A_161, %parallel_loop3A_162 : vector<16xi32>
        tpu.vector_store_idx %arg7[%parallel_loop3A_163], %broadcast_in_dim3A_0 masked %parallel_loop3A_158 {add = true} : memref<2048xi32, #tpu.memory_space<vmem>>[vector<16xi32>], vector<16xi32>, vector<16xi1>
      } {sc.loop_unroll_factor = 8 : i64, sc.parallel_access}
      %scan3A_62 = arith.constant 0 : i32
      %scan3A_63 = arith.constant 32 : i32
      %scan3A_64 = arith.addi %scan3A_62, %scan3A_63 : i32
      %scan3A_65 = arith.constant 1 : i32
      %scan3A_66:6 = scf.for %scan3A_148 = %scan3A_62 to %scan3A_64 step %scan3A_65 iter_args(%scan3A_149 = %broadcast_in_dim3A_2, %scan3A_150 = %broadcast_in_dim3A_2, %scan3A_151 = %broadcast_in_dim3A_2, %scan3A_152 = %broadcast_in_dim3A_2, %scan3A_153 = %broadcast_in_dim3A_2, %scan3A_154 = %broadcast_in_dim3A_2) -> (vector<16xi32>, vector<16xi32>, vector<16xi32>, vector<16xi32>, vector<16xi32>, vector<16xi32>)  : i32 {
        %mul3A_155 = arith.constant 4 : i32
        %mul3A_156 = arith.muli %scan3A_148, %mul3A_155 : i32
        %add3A_157 = arith.constant 0 : i32
        %add3A_158 = arith.addi %mul3A_156, %add3A_157 : i32
        %mul3A_159 = arith.constant 16 : i32
        %mul3A_160 = arith.muli %add3A_158, %mul3A_159 : i32
        %get3A = arith.index_cast %mul3A_160 : i32 to index
        %get3A_161 = tpu.vector_load %arg7[%get3A] {strides = array<i32>} : memref<2048xi32, #tpu.memory_space<vmem>>, vector<16xi32>,
        %broadcast_in_dim3A_162 = arith.constant true
        %broadcast_in_dim3A_163 = vector.broadcast %broadcast_in_dim3A_162 : i1 to vector<16xi1>
        %masked_cumsum3A = tpu.scan <sum>, %get3A_161 masked %broadcast_in_dim3A_163 : vector<16xi32>, vector<16xi1> -> vector<16xi32>
        %add3A_164 = arith.constant 1 : i32
        %add3A_165 = arith.addi %mul3A_156, %add3A_164 : i32
        %mul3A_166 = arith.constant 16 : i32
        %mul3A_167 = arith.muli %add3A_165, %mul3A_166 : i32
        %get3A_168 = arith.index_cast %mul3A_167 : i32 to index
        %get3A_169 = tpu.vector_load %arg7[%get3A_168] {strides = array<i32>} : memref<2048xi32, #tpu.memory_space<vmem>>, vector<16xi32>,
        %broadcast_in_dim3A_170 = arith.constant true
        %broadcast_in_dim3A_171 = vector.broadcast %broadcast_in_dim3A_170 : i1 to vector<16xi1>
        %masked_cumsum3A_172 = tpu.scan <sum>, %get3A_169 masked %broadcast_in_dim3A_171 : vector<16xi32>, vector<16xi1> -> vector<16xi32>
        %add3A_173 = arith.constant 2 : i32
        %add3A_174 = arith.addi %mul3A_156, %add3A_173 : i32
        %mul3A_175 = arith.constant 16 : i32
        %mul3A_176 = arith.muli %add3A_174, %mul3A_175 : i32
        %get3A_177 = arith.index_cast %mul3A_176 : i32 to index
        %get3A_178 = tpu.vector_load %arg7[%get3A_177] {strides = array<i32>} : memref<2048xi32, #tpu.memory_space<vmem>>, vector<16xi32>,
        %broadcast_in_dim3A_179 = arith.constant true
        %broadcast_in_dim3A_180 = vector.broadcast %broadcast_in_dim3A_179 : i1 to vector<16xi1>
        %masked_cumsum3A_181 = tpu.scan <sum>, %get3A_178 masked %broadcast_in_dim3A_180 : vector<16xi32>, vector<16xi1> -> vector<16xi32>
        %add3A_182 = arith.constant 3 : i32
        %add3A_183 = arith.addi %mul3A_156, %add3A_182 : i32
        %mul3A_184 = arith.constant 16 : i32
        %mul3A_185 = arith.muli %add3A_183, %mul3A_184 : i32
        %get3A_186 = arith.index_cast %mul3A_185 : i32 to index
        %get3A_187 = tpu.vector_load %arg7[%get3A_186] {strides = array<i32>} : memref<2048xi32, #tpu.memory_space<vmem>>, vector<16xi32>,
        %broadcast_in_dim3A_188 = arith.constant true
        %broadcast_in_dim3A_189 = vector.broadcast %broadcast_in_dim3A_188 : i1 to vector<16xi1>
        %masked_cumsum3A_190 = tpu.scan <sum>, %get3A_187 masked %broadcast_in_dim3A_189 : vector<16xi32>, vector<16xi1> -> vector<16xi32>
        %lt3A_191 = arith.constant 0 : i32
        %lt3A_192 = vector.broadcast %lt3A_191 : i32 to vector<16xi32>
        %lt3A_193 = arith.cmpi slt, %broadcast_in_dim3A_4, %lt3A_192 : vector<16xi32>
        %add3A_194 = arith.constant 16 : i32
        %add3A_195 = vector.broadcast %add3A_194 : i32 to vector<16xi32>
        %add3A_196 = arith.addi %broadcast_in_dim3A_4, %add3A_195 : vector<16xi32>
        %select_n3A_197 = arith.select %lt3A_193, %add3A_196, %broadcast_in_dim3A_4 : vector<16xi1>, vector<16xi32>
        %reshape3A_198 = vector.shape_cast %select_n3A_197 : vector<16xi32> to vector<16x1xi32>
        %gather3A_199 = vector.shape_cast %reshape3A_198 : vector<16x1xi32> to vector<16xi32>
        %gather3A_200 = tpu.dynamic_gather %masked_cumsum3A[%gather3A_199] in [0] : vector<16xi32>, vector<16xi32> -> vector<16xi32>
        %add3A_201 = arith.addi %scan3A_149, %gather3A_200 : vector<16xi32>
        %lt3A_202 = arith.constant 0 : i32
        %lt3A_203 = vector.broadcast %lt3A_202 : i32 to vector<16xi32>
        %lt3A_204 = arith.cmpi slt, %broadcast_in_dim3A_4, %lt3A_203 : vector<16xi32>
        %add3A_205 = arith.constant 16 : i32
        %add3A_206 = vector.broadcast %add3A_205 : i32 to vector<16xi32>
        %add3A_207 = arith.addi %broadcast_in_dim3A_4, %add3A_206 : vector<16xi32>
        %select_n3A_208 = arith.select %lt3A_204, %add3A_207, %broadcast_in_dim3A_4 : vector<16xi1>, vector<16xi32>
        %reshape3A_209 = vector.shape_cast %select_n3A_208 : vector<16xi32> to vector<16x1xi32>
        %gather3A_210 = vector.shape_cast %reshape3A_209 : vector<16x1xi32> to vector<16xi32>
        %gather3A_211 = tpu.dynamic_gather %masked_cumsum3A_172[%gather3A_210] in [0] : vector<16xi32>, vector<16xi32> -> vector<16xi32>
        %add3A_212 = arith.addi %add3A_201, %gather3A_211 : vector<16xi32>
        %lt3A_213 = arith.constant 0 : i32
        %lt3A_214 = vector.broadcast %lt3A_213 : i32 to vector<16xi32>
        %lt3A_215 = arith.cmpi slt, %broadcast_in_dim3A_4, %lt3A_214 : vector<16xi32>
        %add3A_216 = arith.constant 16 : i32
        %add3A_217 = vector.broadcast %add3A_216 : i32 to vector<16xi32>
        %add3A_218 = arith.addi %broadcast_in_dim3A_4, %add3A_217 : vector<16xi32>
        %select_n3A_219 = arith.select %lt3A_215, %add3A_218, %broadcast_in_dim3A_4 : vector<16xi1>, vector<16xi32>
        %reshape3A_220 = vector.shape_cast %select_n3A_219 : vector<16xi32> to vector<16x1xi32>
        %gather3A_221 = vector.shape_cast %reshape3A_220 : vector<16x1xi32> to vector<16xi32>
        %gather3A_222 = tpu.dynamic_gather %masked_cumsum3A_181[%gather3A_221] in [0] : vector<16xi32>, vector<16xi32> -> vector<16xi32>
        %add3A_223 = arith.addi %add3A_212, %gather3A_222 : vector<16xi32>
        %lt3A_224 = arith.constant 0 : i32
        %lt3A_225 = vector.broadcast %lt3A_224 : i32 to vector<16xi32>
        %lt3A_226 = arith.cmpi slt, %broadcast_in_dim3A_4, %lt3A_225 : vector<16xi32>
        %add3A_227 = arith.constant 16 : i32
        %add3A_228 = vector.broadcast %add3A_227 : i32 to vector<16xi32>
        %add3A_229 = arith.addi %broadcast_in_dim3A_4, %add3A_228 : vector<16xi32>
        %select_n3A_230 = arith.select %lt3A_226, %add3A_229, %broadcast_in_dim3A_4 : vector<16xi1>, vector<16xi32>
        %reshape3A_231 = vector.shape_cast %select_n3A_230 : vector<16xi32> to vector<16x1xi32>
        %gather3A_232 = vector.shape_cast %reshape3A_231 : vector<16x1xi32> to vector<16xi32>
        %gather3A_233 = tpu.dynamic_gather %masked_cumsum3A_190[%gather3A_232] in [0] : vector<16xi32>, vector<16xi32> -> vector<16xi32>
        %add3A_234 = arith.addi %add3A_223, %gather3A_233 : vector<16xi32>
        %add3A_235 = arith.addi %scan3A_149, %masked_cumsum3A : vector<16xi32>
        %ge3A = arith.cmpi sge, %add3A_235, %sub3A_54 : vector<16xi32>
        %all_reduce_population_count3A = tpu.all_reduce %ge3A {dim = 0 : i64, kind = #tpu.reduction_kind<sum>} : vector<16xi1> -> vector<16xi32>
        %sub3A_236 = arith.constant 16 : i32
        %sub3A_237 = vector.broadcast %sub3A_236 : i32 to vector<16xi32>
        %sub3A_238 = arith.subi %sub3A_237, %all_reduce_population_count3A : vector<16xi32>
        %eq3A_239 = arith.constant 0 : i32
        %eq3A_240 = vector.broadcast %eq3A_239 : i32 to vector<16xi32>
        %eq3A_241 = arith.cmpi eq, %scan3A_150, %eq3A_240 : vector<16xi32>
        %gt3A_242 = arith.constant 0 : i32
        %gt3A_243 = vector.broadcast %gt3A_242 : i32 to vector<16xi32>
        %gt3A_244 = arith.cmpi sgt, %all_reduce_population_count3A, %gt3A_243 : vector<16xi32>
        %and3A = arith.andi %eq3A_241, %gt3A_244 : vector<16xi1>
        %add3A_245 = arith.constant 0 : i32
        %add3A_246 = arith.addi %mul3A_156, %add3A_245 : i32
        %mul3A_247 = arith.constant 16 : i32
        %mul3A_248 = arith.muli %add3A_246, %mul3A_247 : i32
        %add3A_249 = vector.broadcast %mul3A_248 : i32 to vector<16xi32>
        %add3A_250 = arith.addi %add3A_249, %sub3A_238 : vector<16xi32>
        %select_n3A_251 = arith.select %and3A, %add3A_250, %scan3A_151 : vector<16xi1>, vector<16xi32>
        %select_n3A_252 = arith.select %and3A, %sub3A_238, %scan3A_152 : vector<16xi1>, vector<16xi32>
        %select_n3A_253 = arith.select %and3A, %add3A_235, %scan3A_153 : vector<16xi1>, vector<16xi32>
        %select_n3A_254 = arith.select %and3A, %scan3A_149, %scan3A_154 : vector<16xi1>, vector<16xi32>
        %gt3A_255 = arith.constant 0 : i32
        %gt3A_256 = vector.broadcast %gt3A_255 : i32 to vector<16xi32>
        %gt3A_257 = arith.cmpi sgt, %all_reduce_population_count3A, %gt3A_256 : vector<16xi32>
        %jit3A = arith.constant 1 : i32
        %broadcast_in_dim3A_258 = vector.broadcast %jit3A : i32 to vector<16xi32>
        %select_n3A_259 = arith.select %gt3A_257, %broadcast_in_dim3A_258, %scan3A_150 : vector<16xi1>, vector<16xi32>
        %add3A_260 = arith.addi %add3A_201, %masked_cumsum3A_172 : vector<16xi32>
        %ge3A_261 = arith.cmpi sge, %add3A_260, %sub3A_54 : vector<16xi32>
        %all_reduce_population_count3A_262 = tpu.all_reduce %ge3A_261 {dim = 0 : i64, kind = #tpu.reduction_kind<sum>} : vector<16xi1> -> vector<16xi32>
        %sub3A_263 = arith.constant 16 : i32
        %sub3A_264 = vector.broadcast %sub3A_263 : i32 to vector<16xi32>
        %sub3A_265 = arith.subi %sub3A_264, %all_reduce_population_count3A_262 : vector<16xi32>
        %eq3A_266 = arith.constant 0 : i32
        %eq3A_267 = vector.broadcast %eq3A_266 : i32 to vector<16xi32>
        %eq3A_268 = arith.cmpi eq, %select_n3A_259, %eq3A_267 : vector<16xi32>
        %gt3A_269 = arith.constant 0 : i32
        %gt3A_270 = vector.broadcast %gt3A_269 : i32 to vector<16xi32>
        %gt3A_271 = arith.cmpi sgt, %all_reduce_population_count3A_262, %gt3A_270 : vector<16xi32>
        %and3A_272 = arith.andi %eq3A_268, %gt3A_271 : vector<16xi1>
        %add3A_273 = arith.constant 1 : i32
        %add3A_274 = arith.addi %mul3A_156, %add3A_273 : i32
        %mul3A_275 = arith.constant 16 : i32
        %mul3A_276 = arith.muli %add3A_274, %mul3A_275 : i32
        %add3A_277 = vector.broadcast %mul3A_276 : i32 to vector<16xi32>
        %add3A_278 = arith.addi %add3A_277, %sub3A_265 : vector<16xi32>
        %select_n3A_279 = arith.select %and3A_272, %add3A_278, %select_n3A_251 : vector<16xi1>, vector<16xi32>
        %select_n3A_280 = arith.select %and3A_272, %sub3A_265, %select_n3A_252 : vector<16xi1>, vector<16xi32>
        %select_n3A_281 = arith.select %and3A_272, %add3A_260, %select_n3A_253 : vector<16xi1>, vector<16xi32>
        %select_n3A_282 = arith.select %and3A_272, %add3A_201, %select_n3A_254 : vector<16xi1>, vector<16xi32>
        %gt3A_283 = arith.constant 0 : i32
        %gt3A_284 = vector.broadcast %gt3A_283 : i32 to vector<16xi32>
        %gt3A_285 = arith.cmpi sgt, %all_reduce_population_count3A_262, %gt3A_284 : vector<16xi32>
        %jit3A_286 = arith.constant 1 : i32
        %broadcast_in_dim3A_287 = vector.broadcast %jit3A_286 : i32 to vector<16xi32>
        %select_n3A_288 = arith.select %gt3A_285, %broadcast_in_dim3A_287, %select_n3A_259 : vector<16xi1>, vector<16xi32>
        %add3A_289 = arith.addi %add3A_212, %masked_cumsum3A_181 : vector<16xi32>
        %ge3A_290 = arith.cmpi sge, %add3A_289, %sub3A_54 : vector<16xi32>
        %all_reduce_population_count3A_291 = tpu.all_reduce %ge3A_290 {dim = 0 : i64, kind = #tpu.reduction_kind<sum>} : vector<16xi1> -> vector<16xi32>
        %sub3A_292 = arith.constant 16 : i32
        %sub3A_293 = vector.broadcast %sub3A_292 : i32 to vector<16xi32>
        %sub3A_294 = arith.subi %sub3A_293, %all_reduce_population_count3A_291 : vector<16xi32>
        %eq3A_295 = arith.constant 0 : i32
        %eq3A_296 = vector.broadcast %eq3A_295 : i32 to vector<16xi32>
        %eq3A_297 = arith.cmpi eq, %select_n3A_288, %eq3A_296 : vector<16xi32>
        %gt3A_298 = arith.constant 0 : i32
        %gt3A_299 = vector.broadcast %gt3A_298 : i32 to vector<16xi32>
        %gt3A_300 = arith.cmpi sgt, %all_reduce_population_count3A_291, %gt3A_299 : vector<16xi32>
        %and3A_301 = arith.andi %eq3A_297, %gt3A_300 : vector<16xi1>
        %add3A_302 = arith.constant 2 : i32
        %add3A_303 = arith.addi %mul3A_156, %add3A_302 : i32
        %mul3A_304 = arith.constant 16 : i32
        %mul3A_305 = arith.muli %add3A_303, %mul3A_304 : i32
        %add3A_306 = vector.broadcast %mul3A_305 : i32 to vector<16xi32>
        %add3A_307 = arith.addi %add3A_306, %sub3A_294 : vector<16xi32>
        %select_n3A_308 = arith.select %and3A_301, %add3A_307, %select_n3A_279 : vector<16xi1>, vector<16xi32>
        %select_n3A_309 = arith.select %and3A_301, %sub3A_294, %select_n3A_280 : vector<16xi1>, vector<16xi32>
        %select_n3A_310 = arith.select %and3A_301, %add3A_289, %select_n3A_281 : vector<16xi1>, vector<16xi32>
        %select_n3A_311 = arith.select %and3A_301, %add3A_212, %select_n3A_282 : vector<16xi1>, vector<16xi32>
        %gt3A_312 = arith.constant 0 : i32
        %gt3A_313 = vector.broadcast %gt3A_312 : i32 to vector<16xi32>
        %gt3A_314 = arith.cmpi sgt, %all_reduce_population_count3A_291, %gt3A_313 : vector<16xi32>
        %jit3A_315 = arith.constant 1 : i32
        %broadcast_in_dim3A_316 = vector.broadcast %jit3A_315 : i32 to vector<16xi32>
        %select_n3A_317 = arith.select %gt3A_314, %broadcast_in_dim3A_316, %select_n3A_288 : vector<16xi1>, vector<16xi32>
        %add3A_318 = arith.addi %add3A_223, %masked_cumsum3A_190 : vector<16xi32>
        %ge3A_319 = arith.cmpi sge, %add3A_318, %sub3A_54 : vector<16xi32>
        %all_reduce_population_count3A_320 = tpu.all_reduce %ge3A_319 {dim = 0 : i64, kind = #tpu.reduction_kind<sum>} : vector<16xi1> -> vector<16xi32>
        %sub3A_321 = arith.constant 16 : i32
        %sub3A_322 = vector.broadcast %sub3A_321 : i32 to vector<16xi32>
        %sub3A_323 = arith.subi %sub3A_322, %all_reduce_population_count3A_320 : vector<16xi32>
        %eq3A_324 = arith.constant 0 : i32
        %eq3A_325 = vector.broadcast %eq3A_324 : i32 to vector<16xi32>
        %eq3A_326 = arith.cmpi eq, %select_n3A_317, %eq3A_325 : vector<16xi32>
        %gt3A_327 = arith.constant 0 : i32
        %gt3A_328 = vector.broadcast %gt3A_327 : i32 to vector<16xi32>
        %gt3A_329 = arith.cmpi sgt, %all_reduce_population_count3A_320, %gt3A_328 : vector<16xi32>
        %and3A_330 = arith.andi %eq3A_326, %gt3A_329 : vector<16xi1>
        %add3A_331 = arith.constant 3 : i32
        %add3A_332 = arith.addi %mul3A_156, %add3A_331 : i32
        %mul3A_333 = arith.constant 16 : i32
        %mul3A_334 = arith.muli %add3A_332, %mul3A_333 : i32
        %add3A_335 = vector.broadcast %mul3A_334 : i32 to vector<16xi32>
        %add3A_336 = arith.addi %add3A_335, %sub3A_323 : vector<16xi32>
        %select_n3A_337 = arith.select %and3A_330, %add3A_336, %select_n3A_308 : vector<16xi1>, vector<16xi32>
        %select_n3A_338 = arith.select %and3A_330, %sub3A_323, %select_n3A_309 : vector<16xi1>, vector<16xi32>
        %select_n3A_339 = arith.select %and3A_330, %add3A_318, %select_n3A_310 : vector<16xi1>, vector<16xi32>
        %select_n3A_340 = arith.select %and3A_330, %add3A_223, %select_n3A_311 : vector<16xi1>, vector<16xi32>
        %gt3A_341 = arith.constant 0 : i32
        %gt3A_342 = vector.broadcast %gt3A_341 : i32 to vector<16xi32>
        %gt3A_343 = arith.cmpi sgt, %all_reduce_population_count3A_320, %gt3A_342 : vector<16xi32>
        %jit3A_344 = arith.constant 1 : i32
        %broadcast_in_dim3A_345 = vector.broadcast %jit3A_344 : i32 to vector<16xi32>
        %select_n3A_346 = arith.select %gt3A_343, %broadcast_in_dim3A_345, %select_n3A_317 : vector<16xi1>, vector<16xi32>
        scf.yield %add3A_234, %select_n3A_346, %select_n3A_337, %select_n3A_338, %select_n3A_339, %select_n3A_340 : vector<16xi32>, vector<16xi32>, vector<16xi32>, vector<16xi32>, vector<16xi32>, vector<16xi32>
      }
      %scan3A_67 = arith.constant 32 : i32
      %eq3A_68 = arith.constant 0 : i32
      %eq3A_69 = vector.broadcast %eq3A_68 : i32 to vector<16xi32>
      %eq3A_70 = arith.cmpi eq, %scan3A_66#3, %eq3A_69 : vector<16xi32>
      %sub3A_71 = arith.constant 1 : i32
      %sub3A_72 = vector.broadcast %sub3A_71 : i32 to vector<16xi32>
      %sub3A_73 = arith.subi %scan3A_66#3, %sub3A_72 : vector<16xi32>
      %max3A_74 = arith.constant 0 : i32
      %max3A_75 = vector.broadcast %max3A_74 : i32 to vector<16xi32>
      %max3A_76 = arith.maxsi %sub3A_73, %max3A_75 : vector<16xi32>
      %lt3A_77 = arith.constant 0 : i32
      %lt3A_78 = vector.broadcast %lt3A_77 : i32 to vector<16xi32>
      %lt3A_79 = arith.cmpi slt, %max3A_76, %lt3A_78 : vector<16xi32>
      %add3A_80 = arith.constant 16 : i32
      %add3A_81 = vector.broadcast %add3A_80 : i32 to vector<16xi32>
      %add3A_82 = arith.addi %max3A_76, %add3A_81 : vector<16xi32>
      %select_n3A_83 = arith.select %lt3A_79, %add3A_82, %max3A_76 : vector<16xi1>, vector<16xi32>
      %reshape3A_84 = vector.shape_cast %select_n3A_83 : vector<16xi32> to vector<16x1xi32>
      %gather3A_85 = vector.shape_cast %reshape3A_84 : vector<16x1xi32> to vector<16xi32>
      %gather3A_86 = tpu.dynamic_gather %scan3A_66#4[%gather3A_85] in [0] : vector<16xi32>, vector<16xi32> -> vector<16xi32>
      %select_n3A_87 = arith.select %eq3A_70, %scan3A_66#5, %gather3A_86 : vector<16xi1>, vector<16xi32>
      %sub3A_88 = arith.subi %sub3A_54, %select_n3A_87 : vector<16xi32>
      %shift_left3A = arith.constant 11 : i32
      %shift_left3A_89 = vector.broadcast %shift_left3A : i32 to vector<16xi32>
      %shift_left3A_90 = arith.shli %scan3A_37#2, %shift_left3A_89 : vector<16xi32>
      %or3A = arith.ori %shift_left3A_90, %scan3A_66#2 : vector<16xi32>
      %parallel_loop3A_91 = arith.constant 0 : i32
      %parallel_loop3A_92 = arith.constant 64 : i32
      %parallel_loop3A_93 = arith.constant 1 : i32
      scf.for %parallel_loop3A_148 = %parallel_loop3A_91 to %parallel_loop3A_92 step %parallel_loop3A_93  : i32 {
        %parallel_loop3A_149 = arith.constant 16 : i32
        %parallel_loop3A_150 = arith.muli %parallel_loop3A_148, %parallel_loop3A_149 : i32
        %parallel_loop3A_151 = arith.index_cast %parallel_loop3A_150 : i32 to index
        %parallel_loop3A_152 = tpu.vector_load %arg7[%parallel_loop3A_151] {strides = array<i32>} : memref<2048xi32, #tpu.memory_space<vmem>>, vector<16xi32>,
        tpu.vector_store %arg7[%parallel_loop3A_151], %broadcast_in_dim3A_2 {strides = array<i32>} : memref<2048xi32, #tpu.memory_space<vmem>>, vector<16xi32>,
      } {sc.loop_unroll_factor = 8 : i64, sc.parallel_access}
      %parallel_loop3A_94 = arith.constant 0 : i32
      %parallel_loop3A_95 = arith.constant 2048 : i32
      %parallel_loop3A_96 = arith.constant 1 : i32
      %parallel_loop3A_97 = arith.constant 1023 : i32
      scf.for %parallel_loop3A_148 = %parallel_loop3A_94 to %parallel_loop3A_95 step %parallel_loop3A_96  : i32 {
        %parallel_loop3A_149 = arith.constant 16 : i32
        %parallel_loop3A_150 = arith.muli %parallel_loop3A_148, %parallel_loop3A_149 : i32
        %parallel_loop3A_151 = arith.index_cast %parallel_loop3A_150 : i32 to index
        %parallel_loop3A_152 = tpu.vector_load %arg5[%parallel_loop3A_151] {strides = array<i32>} : memref<32768xi32, #tpu.memory_space<vmem>>, vector<16xi32>,
        %parallel_loop3A_153 = arith.constant dense<-1> : vector<16xi32>
        %parallel_loop3A_154 = arith.xori %parallel_loop3A_152, %parallel_loop3A_153 : vector<16xi32>
        %parallel_loop3A_155 = arith.constant 10 : i32
        %parallel_loop3A_156 = vector.broadcast %parallel_loop3A_155 : i32 to vector<16xi32>
        %parallel_loop3A_157 = arith.shrui %parallel_loop3A_154, %parallel_loop3A_156 : vector<16xi32>
        %parallel_loop3A_158 = arith.cmpi eq, %parallel_loop3A_157, %or3A : vector<16xi32>
        %parallel_loop3A_159 = arith.constant 0 : i32
        %parallel_loop3A_160 = vector.broadcast %parallel_loop3A_159 : i32 to vector<16xi32>
        %parallel_loop3A_161 = arith.shrui %parallel_loop3A_154, %parallel_loop3A_160 : vector<16xi32>
        %parallel_loop3A_162 = vector.broadcast %parallel_loop3A_97 : i32 to vector<16xi32>
        %parallel_loop3A_163 = arith.andi %parallel_loop3A_161, %parallel_loop3A_162 : vector<16xi32>
        tpu.vector_store_idx %arg7[%parallel_loop3A_163], %broadcast_in_dim3A_0 masked %parallel_loop3A_158 {add = true} : memref<2048xi32, #tpu.memory_space<vmem>>[vector<16xi32>], vector<16xi32>, vector<16xi1>
      } {sc.loop_unroll_factor = 8 : i64, sc.parallel_access}
      %scan3A_98 = arith.constant 0 : i32
      %scan3A_99 = arith.constant 16 : i32
      %scan3A_100 = arith.addi %scan3A_98, %scan3A_99 : i32
      %scan3A_101 = arith.constant 1 : i32
      %scan3A_102:6 = scf.for %scan3A_148 = %scan3A_98 to %scan3A_100 step %scan3A_101 iter_args(%scan3A_149 = %broadcast_in_dim3A_2, %scan3A_150 = %broadcast_in_dim3A_2, %scan3A_151 = %broadcast_in_dim3A_2, %scan3A_152 = %broadcast_in_dim3A_2, %scan3A_153 = %broadcast_in_dim3A_2, %scan3A_154 = %broadcast_in_dim3A_2) -> (vector<16xi32>, vector<16xi32>, vector<16xi32>, vector<16xi32>, vector<16xi32>, vector<16xi32>)  : i32 {
        %mul3A_155 = arith.constant 4 : i32
        %mul3A_156 = arith.muli %scan3A_148, %mul3A_155 : i32
        %add3A_157 = arith.constant 0 : i32
        %add3A_158 = arith.addi %mul3A_156, %add3A_157 : i32
        %mul3A_159 = arith.constant 16 : i32
        %mul3A_160 = arith.muli %add3A_158, %mul3A_159 : i32
        %get3A = arith.index_cast %mul3A_160 : i32 to index
        %get3A_161 = tpu.vector_load %arg7[%get3A] {strides = array<i32>} : memref<2048xi32, #tpu.memory_space<vmem>>, vector<16xi32>,
        %broadcast_in_dim3A_162 = arith.constant true
        %broadcast_in_dim3A_163 = vector.broadcast %broadcast_in_dim3A_162 : i1 to vector<16xi1>
        %masked_cumsum3A = tpu.scan <sum>, %get3A_161 masked %broadcast_in_dim3A_163 : vector<16xi32>, vector<16xi1> -> vector<16xi32>
        %add3A_164 = arith.constant 1 : i32
        %add3A_165 = arith.addi %mul3A_156, %add3A_164 : i32
        %mul3A_166 = arith.constant 16 : i32
        %mul3A_167 = arith.muli %add3A_165, %mul3A_166 : i32
        %get3A_168 = arith.index_cast %mul3A_167 : i32 to index
        %get3A_169 = tpu.vector_load %arg7[%get3A_168] {strides = array<i32>} : memref<2048xi32, #tpu.memory_space<vmem>>, vector<16xi32>,
        %broadcast_in_dim3A_170 = arith.constant true
        %broadcast_in_dim3A_171 = vector.broadcast %broadcast_in_dim3A_170 : i1 to vector<16xi1>
        %masked_cumsum3A_172 = tpu.scan <sum>, %get3A_169 masked %broadcast_in_dim3A_171 : vector<16xi32>, vector<16xi1> -> vector<16xi32>
        %add3A_173 = arith.constant 2 : i32
        %add3A_174 = arith.addi %mul3A_156, %add3A_173 : i32
        %mul3A_175 = arith.constant 16 : i32
        %mul3A_176 = arith.muli %add3A_174, %mul3A_175 : i32
        %get3A_177 = arith.index_cast %mul3A_176 : i32 to index
        %get3A_178 = tpu.vector_load %arg7[%get3A_177] {strides = array<i32>} : memref<2048xi32, #tpu.memory_space<vmem>>, vector<16xi32>,
        %broadcast_in_dim3A_179 = arith.constant true
        %broadcast_in_dim3A_180 = vector.broadcast %broadcast_in_dim3A_179 : i1 to vector<16xi1>
        %masked_cumsum3A_181 = tpu.scan <sum>, %get3A_178 masked %broadcast_in_dim3A_180 : vector<16xi32>, vector<16xi1> -> vector<16xi32>
        %add3A_182 = arith.constant 3 : i32
        %add3A_183 = arith.addi %mul3A_156, %add3A_182 : i32
        %mul3A_184 = arith.constant 16 : i32
        %mul3A_185 = arith.muli %add3A_183, %mul3A_184 : i32
        %get3A_186 = arith.index_cast %mul3A_185 : i32 to index
        %get3A_187 = tpu.vector_load %arg7[%get3A_186] {strides = array<i32>} : memref<2048xi32, #tpu.memory_space<vmem>>, vector<16xi32>,
        %broadcast_in_dim3A_188 = arith.constant true
        %broadcast_in_dim3A_189 = vector.broadcast %broadcast_in_dim3A_188 : i1 to vector<16xi1>
        %masked_cumsum3A_190 = tpu.scan <sum>, %get3A_187 masked %broadcast_in_dim3A_189 : vector<16xi32>, vector<16xi1> -> vector<16xi32>
        %lt3A_191 = arith.constant 0 : i32
        %lt3A_192 = vector.broadcast %lt3A_191 : i32 to vector<16xi32>
        %lt3A_193 = arith.cmpi slt, %broadcast_in_dim3A_4, %lt3A_192 : vector<16xi32>
        %add3A_194 = arith.constant 16 : i32
        %add3A_195 = vector.broadcast %add3A_194 : i32 to vector<16xi32>
        %add3A_196 = arith.addi %broadcast_in_dim3A_4, %add3A_195 : vector<16xi32>
        %select_n3A_197 = arith.select %lt3A_193, %add3A_196, %broadcast_in_dim3A_4 : vector<16xi1>, vector<16xi32>
        %reshape3A_198 = vector.shape_cast %select_n3A_197 : vector<16xi32> to vector<16x1xi32>
        %gather3A_199 = vector.shape_cast %reshape3A_198 : vector<16x1xi32> to vector<16xi32>
        %gather3A_200 = tpu.dynamic_gather %masked_cumsum3A[%gather3A_199] in [0] : vector<16xi32>, vector<16xi32> -> vector<16xi32>
        %add3A_201 = arith.addi %scan3A_149, %gather3A_200 : vector<16xi32>
        %lt3A_202 = arith.constant 0 : i32
        %lt3A_203 = vector.broadcast %lt3A_202 : i32 to vector<16xi32>
        %lt3A_204 = arith.cmpi slt, %broadcast_in_dim3A_4, %lt3A_203 : vector<16xi32>
        %add3A_205 = arith.constant 16 : i32
        %add3A_206 = vector.broadcast %add3A_205 : i32 to vector<16xi32>
        %add3A_207 = arith.addi %broadcast_in_dim3A_4, %add3A_206 : vector<16xi32>
        %select_n3A_208 = arith.select %lt3A_204, %add3A_207, %broadcast_in_dim3A_4 : vector<16xi1>, vector<16xi32>
        %reshape3A_209 = vector.shape_cast %select_n3A_208 : vector<16xi32> to vector<16x1xi32>
        %gather3A_210 = vector.shape_cast %reshape3A_209 : vector<16x1xi32> to vector<16xi32>
        %gather3A_211 = tpu.dynamic_gather %masked_cumsum3A_172[%gather3A_210] in [0] : vector<16xi32>, vector<16xi32> -> vector<16xi32>
        %add3A_212 = arith.addi %add3A_201, %gather3A_211 : vector<16xi32>
        %lt3A_213 = arith.constant 0 : i32
        %lt3A_214 = vector.broadcast %lt3A_213 : i32 to vector<16xi32>
        %lt3A_215 = arith.cmpi slt, %broadcast_in_dim3A_4, %lt3A_214 : vector<16xi32>
        %add3A_216 = arith.constant 16 : i32
        %add3A_217 = vector.broadcast %add3A_216 : i32 to vector<16xi32>
        %add3A_218 = arith.addi %broadcast_in_dim3A_4, %add3A_217 : vector<16xi32>
        %select_n3A_219 = arith.select %lt3A_215, %add3A_218, %broadcast_in_dim3A_4 : vector<16xi1>, vector<16xi32>
        %reshape3A_220 = vector.shape_cast %select_n3A_219 : vector<16xi32> to vector<16x1xi32>
        %gather3A_221 = vector.shape_cast %reshape3A_220 : vector<16x1xi32> to vector<16xi32>
        %gather3A_222 = tpu.dynamic_gather %masked_cumsum3A_181[%gather3A_221] in [0] : vector<16xi32>, vector<16xi32> -> vector<16xi32>
        %add3A_223 = arith.addi %add3A_212, %gather3A_222 : vector<16xi32>
        %lt3A_224 = arith.constant 0 : i32
        %lt3A_225 = vector.broadcast %lt3A_224 : i32 to vector<16xi32>
        %lt3A_226 = arith.cmpi slt, %broadcast_in_dim3A_4, %lt3A_225 : vector<16xi32>
        %add3A_227 = arith.constant 16 : i32
        %add3A_228 = vector.broadcast %add3A_227 : i32 to vector<16xi32>
        %add3A_229 = arith.addi %broadcast_in_dim3A_4, %add3A_228 : vector<16xi32>
        %select_n3A_230 = arith.select %lt3A_226, %add3A_229, %broadcast_in_dim3A_4 : vector<16xi1>, vector<16xi32>
        %reshape3A_231 = vector.shape_cast %select_n3A_230 : vector<16xi32> to vector<16x1xi32>
        %gather3A_232 = vector.shape_cast %reshape3A_231 : vector<16x1xi32> to vector<16xi32>
        %gather3A_233 = tpu.dynamic_gather %masked_cumsum3A_190[%gather3A_232] in [0] : vector<16xi32>, vector<16xi32> -> vector<16xi32>
        %add3A_234 = arith.addi %add3A_223, %gather3A_233 : vector<16xi32>
        %add3A_235 = arith.addi %scan3A_149, %masked_cumsum3A : vector<16xi32>
        %ge3A = arith.cmpi sge, %add3A_235, %sub3A_88 : vector<16xi32>
        %all_reduce_population_count3A = tpu.all_reduce %ge3A {dim = 0 : i64, kind = #tpu.reduction_kind<sum>} : vector<16xi1> -> vector<16xi32>
        %sub3A_236 = arith.constant 16 : i32
        %sub3A_237 = vector.broadcast %sub3A_236 : i32 to vector<16xi32>
        %sub3A_238 = arith.subi %sub3A_237, %all_reduce_population_count3A : vector<16xi32>
        %eq3A_239 = arith.constant 0 : i32
        %eq3A_240 = vector.broadcast %eq3A_239 : i32 to vector<16xi32>
        %eq3A_241 = arith.cmpi eq, %scan3A_150, %eq3A_240 : vector<16xi32>
        %gt3A_242 = arith.constant 0 : i32
        %gt3A_243 = vector.broadcast %gt3A_242 : i32 to vector<16xi32>
        %gt3A_244 = arith.cmpi sgt, %all_reduce_population_count3A, %gt3A_243 : vector<16xi32>
        %and3A = arith.andi %eq3A_241, %gt3A_244 : vector<16xi1>
        %add3A_245 = arith.constant 0 : i32
        %add3A_246 = arith.addi %mul3A_156, %add3A_245 : i32
        %mul3A_247 = arith.constant 16 : i32
        %mul3A_248 = arith.muli %add3A_246, %mul3A_247 : i32
        %add3A_249 = vector.broadcast %mul3A_248 : i32 to vector<16xi32>
        %add3A_250 = arith.addi %add3A_249, %sub3A_238 : vector<16xi32>
        %select_n3A_251 = arith.select %and3A, %add3A_250, %scan3A_151 : vector<16xi1>, vector<16xi32>
        %select_n3A_252 = arith.select %and3A, %sub3A_238, %scan3A_152 : vector<16xi1>, vector<16xi32>
        %select_n3A_253 = arith.select %and3A, %add3A_235, %scan3A_153 : vector<16xi1>, vector<16xi32>
        %select_n3A_254 = arith.select %and3A, %scan3A_149, %scan3A_154 : vector<16xi1>, vector<16xi32>
        %gt3A_255 = arith.constant 0 : i32
        %gt3A_256 = vector.broadcast %gt3A_255 : i32 to vector<16xi32>
        %gt3A_257 = arith.cmpi sgt, %all_reduce_population_count3A, %gt3A_256 : vector<16xi32>
        %jit3A = arith.constant 1 : i32
        %broadcast_in_dim3A_258 = vector.broadcast %jit3A : i32 to vector<16xi32>
        %select_n3A_259 = arith.select %gt3A_257, %broadcast_in_dim3A_258, %scan3A_150 : vector<16xi1>, vector<16xi32>
        %add3A_260 = arith.addi %add3A_201, %masked_cumsum3A_172 : vector<16xi32>
        %ge3A_261 = arith.cmpi sge, %add3A_260, %sub3A_88 : vector<16xi32>
        %all_reduce_population_count3A_262 = tpu.all_reduce %ge3A_261 {dim = 0 : i64, kind = #tpu.reduction_kind<sum>} : vector<16xi1> -> vector<16xi32>
        %sub3A_263 = arith.constant 16 : i32
        %sub3A_264 = vector.broadcast %sub3A_263 : i32 to vector<16xi32>
        %sub3A_265 = arith.subi %sub3A_264, %all_reduce_population_count3A_262 : vector<16xi32>
        %eq3A_266 = arith.constant 0 : i32
        %eq3A_267 = vector.broadcast %eq3A_266 : i32 to vector<16xi32>
        %eq3A_268 = arith.cmpi eq, %select_n3A_259, %eq3A_267 : vector<16xi32>
        %gt3A_269 = arith.constant 0 : i32
        %gt3A_270 = vector.broadcast %gt3A_269 : i32 to vector<16xi32>
        %gt3A_271 = arith.cmpi sgt, %all_reduce_population_count3A_262, %gt3A_270 : vector<16xi32>
        %and3A_272 = arith.andi %eq3A_268, %gt3A_271 : vector<16xi1>
        %add3A_273 = arith.constant 1 : i32
        %add3A_274 = arith.addi %mul3A_156, %add3A_273 : i32
        %mul3A_275 = arith.constant 16 : i32
        %mul3A_276 = arith.muli %add3A_274, %mul3A_275 : i32
        %add3A_277 = vector.broadcast %mul3A_276 : i32 to vector<16xi32>
        %add3A_278 = arith.addi %add3A_277, %sub3A_265 : vector<16xi32>
        %select_n3A_279 = arith.select %and3A_272, %add3A_278, %select_n3A_251 : vector<16xi1>, vector<16xi32>
        %select_n3A_280 = arith.select %and3A_272, %sub3A_265, %select_n3A_252 : vector<16xi1>, vector<16xi32>
        %select_n3A_281 = arith.select %and3A_272, %add3A_260, %select_n3A_253 : vector<16xi1>, vector<16xi32>
        %select_n3A_282 = arith.select %and3A_272, %add3A_201, %select_n3A_254 : vector<16xi1>, vector<16xi32>
        %gt3A_283 = arith.constant 0 : i32
        %gt3A_284 = vector.broadcast %gt3A_283 : i32 to vector<16xi32>
        %gt3A_285 = arith.cmpi sgt, %all_reduce_population_count3A_262, %gt3A_284 : vector<16xi32>
        %jit3A_286 = arith.constant 1 : i32
        %broadcast_in_dim3A_287 = vector.broadcast %jit3A_286 : i32 to vector<16xi32>
        %select_n3A_288 = arith.select %gt3A_285, %broadcast_in_dim3A_287, %select_n3A_259 : vector<16xi1>, vector<16xi32>
        %add3A_289 = arith.addi %add3A_212, %masked_cumsum3A_181 : vector<16xi32>
        %ge3A_290 = arith.cmpi sge, %add3A_289, %sub3A_88 : vector<16xi32>
        %all_reduce_population_count3A_291 = tpu.all_reduce %ge3A_290 {dim = 0 : i64, kind = #tpu.reduction_kind<sum>} : vector<16xi1> -> vector<16xi32>
        %sub3A_292 = arith.constant 16 : i32
        %sub3A_293 = vector.broadcast %sub3A_292 : i32 to vector<16xi32>
        %sub3A_294 = arith.subi %sub3A_293, %all_reduce_population_count3A_291 : vector<16xi32>
        %eq3A_295 = arith.constant 0 : i32
        %eq3A_296 = vector.broadcast %eq3A_295 : i32 to vector<16xi32>
        %eq3A_297 = arith.cmpi eq, %select_n3A_288, %eq3A_296 : vector<16xi32>
        %gt3A_298 = arith.constant 0 : i32
        %gt3A_299 = vector.broadcast %gt3A_298 : i32 to vector<16xi32>
        %gt3A_300 = arith.cmpi sgt, %all_reduce_population_count3A_291, %gt3A_299 : vector<16xi32>
        %and3A_301 = arith.andi %eq3A_297, %gt3A_300 : vector<16xi1>
        %add3A_302 = arith.constant 2 : i32
        %add3A_303 = arith.addi %mul3A_156, %add3A_302 : i32
        %mul3A_304 = arith.constant 16 : i32
        %mul3A_305 = arith.muli %add3A_303, %mul3A_304 : i32
        %add3A_306 = vector.broadcast %mul3A_305 : i32 to vector<16xi32>
        %add3A_307 = arith.addi %add3A_306, %sub3A_294 : vector<16xi32>
        %select_n3A_308 = arith.select %and3A_301, %add3A_307, %select_n3A_279 : vector<16xi1>, vector<16xi32>
        %select_n3A_309 = arith.select %and3A_301, %sub3A_294, %select_n3A_280 : vector<16xi1>, vector<16xi32>
        %select_n3A_310 = arith.select %and3A_301, %add3A_289, %select_n3A_281 : vector<16xi1>, vector<16xi32>
        %select_n3A_311 = arith.select %and3A_301, %add3A_212, %select_n3A_282 : vector<16xi1>, vector<16xi32>
        %gt3A_312 = arith.constant 0 : i32
        %gt3A_313 = vector.broadcast %gt3A_312 : i32 to vector<16xi32>
        %gt3A_314 = arith.cmpi sgt, %all_reduce_population_count3A_291, %gt3A_313 : vector<16xi32>
        %jit3A_315 = arith.constant 1 : i32
        %broadcast_in_dim3A_316 = vector.broadcast %jit3A_315 : i32 to vector<16xi32>
        %select_n3A_317 = arith.select %gt3A_314, %broadcast_in_dim3A_316, %select_n3A_288 : vector<16xi1>, vector<16xi32>
        %add3A_318 = arith.addi %add3A_223, %masked_cumsum3A_190 : vector<16xi32>
        %ge3A_319 = arith.cmpi sge, %add3A_318, %sub3A_88 : vector<16xi32>
        %all_reduce_population_count3A_320 = tpu.all_reduce %ge3A_319 {dim = 0 : i64, kind = #tpu.reduction_kind<sum>} : vector<16xi1> -> vector<16xi32>
        %sub3A_321 = arith.constant 16 : i32
        %sub3A_322 = vector.broadcast %sub3A_321 : i32 to vector<16xi32>
        %sub3A_323 = arith.subi %sub3A_322, %all_reduce_population_count3A_320 : vector<16xi32>
        %eq3A_324 = arith.constant 0 : i32
        %eq3A_325 = vector.broadcast %eq3A_324 : i32 to vector<16xi32>
        %eq3A_326 = arith.cmpi eq, %select_n3A_317, %eq3A_325 : vector<16xi32>
        %gt3A_327 = arith.constant 0 : i32
        %gt3A_328 = vector.broadcast %gt3A_327 : i32 to vector<16xi32>
        %gt3A_329 = arith.cmpi sgt, %all_reduce_population_count3A_320, %gt3A_328 : vector<16xi32>
        %and3A_330 = arith.andi %eq3A_326, %gt3A_329 : vector<16xi1>
        %add3A_331 = arith.constant 3 : i32
        %add3A_332 = arith.addi %mul3A_156, %add3A_331 : i32
        %mul3A_333 = arith.constant 16 : i32
        %mul3A_334 = arith.muli %add3A_332, %mul3A_333 : i32
        %add3A_335 = vector.broadcast %mul3A_334 : i32 to vector<16xi32>
        %add3A_336 = arith.addi %add3A_335, %sub3A_323 : vector<16xi32>
        %select_n3A_337 = arith.select %and3A_330, %add3A_336, %select_n3A_308 : vector<16xi1>, vector<16xi32>
        %select_n3A_338 = arith.select %and3A_330, %sub3A_323, %select_n3A_309 : vector<16xi1>, vector<16xi32>
        %select_n3A_339 = arith.select %and3A_330, %add3A_318, %select_n3A_310 : vector<16xi1>, vector<16xi32>
        %select_n3A_340 = arith.select %and3A_330, %add3A_223, %select_n3A_311 : vector<16xi1>, vector<16xi32>
        %gt3A_341 = arith.constant 0 : i32
        %gt3A_342 = vector.broadcast %gt3A_341 : i32 to vector<16xi32>
        %gt3A_343 = arith.cmpi sgt, %all_reduce_population_count3A_320, %gt3A_342 : vector<16xi32>
        %jit3A_344 = arith.constant 1 : i32
        %broadcast_in_dim3A_345 = vector.broadcast %jit3A_344 : i32 to vector<16xi32>
        %select_n3A_346 = arith.select %gt3A_343, %broadcast_in_dim3A_345, %select_n3A_317 : vector<16xi1>, vector<16xi32>
        scf.yield %add3A_234, %select_n3A_346, %select_n3A_337, %select_n3A_338, %select_n3A_339, %select_n3A_340 : vector<16xi32>, vector<16xi32>, vector<16xi32>, vector<16xi32>, vector<16xi32>, vector<16xi32>
      }
      %scan3A_103 = arith.constant 16 : i32
      %eq3A_104 = arith.constant 0 : i32
      %eq3A_105 = vector.broadcast %eq3A_104 : i32 to vector<16xi32>
      %eq3A_106 = arith.cmpi eq, %scan3A_102#3, %eq3A_105 : vector<16xi32>
      %sub3A_107 = arith.constant 1 : i32
      %sub3A_108 = vector.broadcast %sub3A_107 : i32 to vector<16xi32>
      %sub3A_109 = arith.subi %scan3A_102#3, %sub3A_108 : vector<16xi32>
      %max3A_110 = arith.constant 0 : i32
      %max3A_111 = vector.broadcast %max3A_110 : i32 to vector<16xi32>
      %max3A_112 = arith.maxsi %sub3A_109, %max3A_111 : vector<16xi32>
      %lt3A_113 = arith.constant 0 : i32
      %lt3A_114 = vector.broadcast %lt3A_113 : i32 to vector<16xi32>
      %lt3A_115 = arith.cmpi slt, %max3A_112, %lt3A_114 : vector<16xi32>
      %add3A_116 = arith.constant 16 : i32
      %add3A_117 = vector.broadcast %add3A_116 : i32 to vector<16xi32>
      %add3A_118 = arith.addi %max3A_112, %add3A_117 : vector<16xi32>
      %select_n3A_119 = arith.select %lt3A_115, %add3A_118, %max3A_112 : vector<16xi1>, vector<16xi32>
      %reshape3A_120 = vector.shape_cast %select_n3A_119 : vector<16xi32> to vector<16x1xi32>
      %gather3A_121 = vector.shape_cast %reshape3A_120 : vector<16x1xi32> to vector<16xi32>
      %gather3A_122 = tpu.dynamic_gather %scan3A_102#4[%gather3A_121] in [0] : vector<16xi32>, vector<16xi32> -> vector<16xi32>
      %select_n3A_123 = arith.select %eq3A_106, %scan3A_102#5, %gather3A_122 : vector<16xi1>, vector<16xi32>
      %sub3A_124 = arith.subi %sub3A_88, %select_n3A_123 : vector<16xi32>
      %shift_left3A_125 = arith.constant 10 : i32
      %shift_left3A_126 = vector.broadcast %shift_left3A_125 : i32 to vector<16xi32>
      %shift_left3A_127 = arith.shli %or3A, %shift_left3A_126 : vector<16xi32>
      %or3A_128 = arith.ori %shift_left3A_127, %scan3A_102#2 : vector<16xi32>
      %not3A = arith.constant dense<-1> : vector<16xi32>
      %not3A_129 = arith.xori %or3A_128, %not3A : vector<16xi32>
      %xor3A = vector.broadcast %scan3A_8 : i32 to vector<16xi32>
      %xor3A_130 = arith.xori %not3A_129, %xor3A : vector<16xi32>
      %gt3A = arith.constant 0 : i32
      %gt3A_131 = arith.cmpi sgt, %scan3A_22, %gt3A : i32
      %convert_element_type3A_132 = arith.extui %gt3A_131 : i1 to i32
      %cond3A_133 = arith.constant 0 : i32
      %cond3A_134 = arith.cmpi ne, %convert_element_type3A_132, %cond3A_133 : i32
      scf.if %cond3A_134 {
        %sub3A_148 = arith.constant 1 : i32
        %sub3A_149 = arith.subi %add3A_23, %sub3A_148 : i32
        %dma_wait3A_150 = arith.constant 0 : i32
        %dma_wait3A_151 = tpu.memref_slice %arg3[%sub3A_149, %dma_wait3A_150] : memref<128x32768xf32, #tpu.memory_space<hbm>> -> memref<1x32768xf32, #tpu.memory_space<hbm>>
        %dma_wait3A_152 = tpu.memref_squeeze %dma_wait3A_151 : memref<1x32768xf32, #tpu.memory_space<hbm>> -> memref<32768xf32, #tpu.memory_space<hbm>>
        %dma_wait3A_153 = arith.constant 0 : i32
        %dma_wait3A_154 = tpu.memref_slice %arg3[%sub3A_149, %dma_wait3A_153] : memref<128x32768xf32, #tpu.memory_space<hbm>> -> memref<1x32768xf32, #tpu.memory_space<hbm>>
        %dma_wait3A_155 = tpu.memref_squeeze %dma_wait3A_154 : memref<1x32768xf32, #tpu.memory_space<hbm>> -> memref<32768xf32, #tpu.memory_space<hbm>>
        tpu.wait_dma2 semaphore(%arg9 : memref<!tpu.dma_semaphore, #tpu.memory_space<semaphore_mem>>) src(%arg6 : memref<32768xf32, #tpu.memory_space<vmem>>) dst(%dma_wait3A_155 : memref<32768xf32, #tpu.memory_space<hbm>>)
      } else {
      }
      %parallel_loop3A_135 = arith.constant 0 : i32
      %parallel_loop3A_136 = arith.constant 2048 : i32
      %parallel_loop3A_137 = arith.constant 1 : i32
      scf.for %parallel_loop3A_148 = %parallel_loop3A_135 to %parallel_loop3A_136 step %parallel_loop3A_137  : i32 {
        %parallel_loop3A_149 = arith.constant 16 : i32
        %parallel_loop3A_150 = arith.muli %parallel_loop3A_148, %parallel_loop3A_149 : i32
        %parallel_loop3A_151 = arith.index_cast %parallel_loop3A_150 : i32 to index
        %parallel_loop3A_152 = tpu.vector_load %arg5[%parallel_loop3A_151] {strides = array<i32>} : memref<32768xi32, #tpu.memory_space<vmem>>, vector<16xi32>,
        %parallel_loop3A_153 = vector.broadcast %scan3A_8 : i32 to vector<16xi32>
        %parallel_loop3A_154 = arith.xori %parallel_loop3A_152, %parallel_loop3A_153 : vector<16xi32>
        %parallel_loop3A_155 = arith.constant 0 : i32
        %parallel_loop3A_156 = vector.broadcast %parallel_loop3A_155 : i32 to vector<16xi32>
        %parallel_loop3A_157 = arith.cmpi slt, %parallel_loop3A_154, %parallel_loop3A_156 : vector<16xi32>
        %parallel_loop3A_158 = arith.constant dense<-1> : vector<16xi32>
        %parallel_loop3A_159 = arith.xori %parallel_loop3A_152, %parallel_loop3A_158 : vector<16xi32>
        %parallel_loop3A_160 = arith.select %parallel_loop3A_157, %parallel_loop3A_159, %parallel_loop3A_154 : vector<16xi1>, vector<16xi32>
        %parallel_loop3A_161 = arith.cmpi sge, %parallel_loop3A_154, %xor3A_130 : vector<16xi32>
        %parallel_loop3A_162 = arith.constant 0 : i32
        %parallel_loop3A_163 = vector.broadcast %parallel_loop3A_162 : i32 to vector<16xi32>
        %parallel_loop3A_164 = arith.select %parallel_loop3A_161, %parallel_loop3A_160, %parallel_loop3A_163 : vector<16xi1>, vector<16xi32>
        %parallel_loop3A_165 = vector.bitcast %parallel_loop3A_164 : vector<16xi32> to vector<16xf32>
        %parallel_loop3A_166 = arith.index_cast %parallel_loop3A_150 : i32 to index
        %parallel_loop3A_167 = tpu.vector_load %arg6[%parallel_loop3A_166] {strides = array<i32>} : memref<32768xf32, #tpu.memory_space<vmem>>, vector<16xf32>,
        tpu.vector_store %arg6[%parallel_loop3A_166], %parallel_loop3A_165 {strides = array<i32>} : memref<32768xf32, #tpu.memory_space<vmem>>, vector<16xf32>,
      } {sc.loop_unroll_factor = 8 : i64, sc.parallel_access}
      %dma_start3A = arith.constant 0 : i32
      %dma_start3A_138 = tpu.memref_slice %arg3[%add3A_23, %dma_start3A] : memref<128x32768xf32, #tpu.memory_space<hbm>> -> memref<1x32768xf32, #tpu.memory_space<hbm>>
      %dma_start3A_139 = tpu.memref_squeeze %dma_start3A_138 : memref<1x32768xf32, #tpu.memory_space<hbm>> -> memref<32768xf32, #tpu.memory_space<hbm>>
      %dma_start3A_140 = arith.constant 0 : i32
      %dma_start3A_141 = tpu.memref_slice %arg3[%add3A_23, %dma_start3A_140] : memref<128x32768xf32, #tpu.memory_space<hbm>> -> memref<1x32768xf32, #tpu.memory_space<hbm>>
      %dma_start3A_142 = tpu.memref_squeeze %dma_start3A_141 : memref<1x32768xf32, #tpu.memory_space<hbm>> -> memref<32768xf32, #tpu.memory_space<hbm>>
      tpu.enqueue_dma source(%arg6 : memref<32768xf32, #tpu.memory_space<vmem>>) target(%dma_start3A_142 : memref<32768xf32, #tpu.memory_space<hbm>>) target_semaphore(%arg9 : memref<!tpu.dma_semaphore, #tpu.memory_space<semaphore_mem>>)
      %lt3A_143 = arith.constant 3 : i32
      %lt3A_144 = arith.cmpi slt, %scan3A_22, %lt3A_143 : i32
      %convert_element_type3A_145 = arith.extui %lt3A_144 : i1 to i32
      %cond3A_146 = arith.constant 0 : i32
      %cond3A_147 = arith.cmpi ne, %convert_element_type3A_145, %cond3A_146 : i32
      scf.if %cond3A_147 {
        %add3A_148 = arith.constant 1 : i32
        %add3A_149 = arith.addi %add3A_23, %add3A_148 : i32
        %dma_wait3A_150 = arith.constant 0 : i32
        %dma_wait3A_151 = tpu.memref_slice %arg2[%add3A_149, %dma_wait3A_150] : memref<128x32768xf32, #tpu.memory_space<hbm>> -> memref<1x32768xf32, #tpu.memory_space<hbm>>
        %dma_wait3A_152 = tpu.memref_squeeze %dma_wait3A_151 : memref<1x32768xf32, #tpu.memory_space<hbm>> -> memref<32768xf32, #tpu.memory_space<hbm>>
        %dma_wait3A_153 = arith.constant 0 : i32
        %dma_wait3A_154 = tpu.memref_slice %arg2[%add3A_149, %dma_wait3A_153] : memref<128x32768xf32, #tpu.memory_space<hbm>> -> memref<1x32768xf32, #tpu.memory_space<hbm>>
        %dma_wait3A_155 = tpu.memref_squeeze %dma_wait3A_154 : memref<1x32768xf32, #tpu.memory_space<hbm>> -> memref<32768xf32, #tpu.memory_space<hbm>>
        tpu.wait_dma2 semaphore(%arg8 : memref<!tpu.dma_semaphore, #tpu.memory_space<semaphore_mem>>) src(%dma_wait3A_155 : memref<32768xf32, #tpu.memory_space<hbm>>) dst(%arg4 : memref<32768xf32, #tpu.memory_space<vmem>>)
      } else {
      }
    }
    %scan3A_13 = arith.constant 4 : i32
    %add3A_14 = arith.constant 4 : i32
    %add3A_15 = arith.addi %mul3A_7, %add3A_14 : i32
    %sub3A = arith.constant 1 : i32
    %sub3A_16 = arith.subi %add3A_15, %sub3A : i32
    %dma_wait3A = arith.constant 0 : i32
    %dma_wait3A_17 = tpu.memref_slice %arg3[%sub3A_16, %dma_wait3A] : memref<128x32768xf32, #tpu.memory_space<hbm>> -> memref<1x32768xf32, #tpu.memory_space<hbm>>
    %dma_wait3A_18 = tpu.memref_squeeze %dma_wait3A_17 : memref<1x32768xf32, #tpu.memory_space<hbm>> -> memref<32768xf32, #tpu.memory_space<hbm>>
    %dma_wait3A_19 = arith.constant 0 : i32
    %dma_wait3A_20 = tpu.memref_slice %arg3[%sub3A_16, %dma_wait3A_19] : memref<128x32768xf32, #tpu.memory_space<hbm>> -> memref<1x32768xf32, #tpu.memory_space<hbm>>
    %dma_wait3A_21 = tpu.memref_squeeze %dma_wait3A_20 : memref<1x32768xf32, #tpu.memory_space<hbm>> -> memref<32768xf32, #tpu.memory_space<hbm>>
    tpu.wait_dma2 semaphore(%arg9 : memref<!tpu.dma_semaphore, #tpu.memory_space<semaphore_mem>>) src(%arg6 : memref<32768xf32, #tpu.memory_space<vmem>>) dst(%dma_wait3A_21 : memref<32768xf32, #tpu.memory_space<hbm>>)
    return
  }
}

</mosaic_0001>

<sc_bundles>
// kernel: kernel.3.cloned.1.call-start
scs
__scs_entry_jumppad:
0x0: {  	(pc) =	sbr.rel $0x88, $3  }
0x1: {  	(tag) =	ssettag $0x0;
	lr =	simm.s32 $0x1  }
0x2: {  	[smem:$0x3FA0] =	sst lr;
	_ =	strace $0xD0000000  }
0x3: {  	_ = 	snop  }
0x4: {  	_ = 	snop  }
0x5: {  	_ = 	snop  }
0x6: {  	_ = 	snop  }
0x7: {  	_ = 	snop  }
__scs_overlays_trampoline_lowered:
0x8: {  	[smem:$0x3FAF] =	sst s0  }
0x9: {  	[smem:$0x3FB0] =	sst s1  }
0xa: {  	[smem:$0x3FB1] =	sst s2  }
0xb: {  	[smem:$0x3FB2] =	sst s3  }
0xc: {  	[smem:$0x3FB3] =	sst s4  }
0xd: {  	[smem:$0x3FB4] =	sst s5  }
0xe: {  	[smem:$0x3FB5] =	sst s6  }
0xf: {  	[smem:$0x3FB6] =	sst s7  }
0x10: {  	[smem:$0x3FB7] =	sst s8  }
0x11: {  	[smem:$0x3FB8] =	sst s9;
	s0 =	simm.s32 @!p0 $0x0  }
0x12: {  	s1 =	sld [smem:$0x3F9E];
	s0 =	simm.s32 @p0 $0x1  }
0x13: {  	[smem:$0x3FB9] =	sst s0;
	s0 =	simm.s32 @!p1 $0x0  }
0x14: {  	s2 =	sld [smem:$0x3F9D];
	s0 =	simm.s32 @p1 $0x1  }
0x15: {  	[smem:$0x3FBA] =	sst s0;
	s0 =	simm.s32 @!p2 $0x0  }
0x16: {  	s3 =	sld [smem:$0x3FDB];
	s0 =	simm.s32 @p2 $0x1  }
0x17: {  	s4 =	simm.s32 $0x1BF5;
	[smem:$0x3FBC] =	sst s0  }
0x18: {  	s0 =	sld [smem:$0x3F9F];
	_ =	swait.ge [sflag:s4], $0x0  }
0x19: {  	s7 =	sld [smem:$0x3FA0]  }
0x1a: {  	s8 =	sadd.s32 $0xFFFFE003, lr  }
0x1b: {  	s9 =	sadd.s32 $0xFFFFFEF7, lr;
	s5 =	simm.s32 $0xFFFFFFFF;
	p2 =	slt.u32 s8, $0xFFFFF086  }
0x1c: {  	p1 =	slt.u32 s9, $0xF7A;
	s5 =	simm.s32 @!p2 $0x0  }
0x1d: {  	s5 =	simm.s32 @p1 $0x1;
	p0 =	seq.s32 s7, s2  }
0x1e: {  	s7 =	smul.u32 @!p0 $0xF7A, s2;
	p2 =	seq.s32 @!p0 s5, $0x0  }
0x1f: {  	s9 =	smul.u32 $0xF7A, s1;
	s8 =	simm.s32 @!p0 $0x1BF5;
	p2 =	por !p2, p0  }
0x20: {  	[sflag:s8] =	ssyncset.s32 @!p0 $0xFFFFF086;
	s6 =	sadd.s32 @!p0 s3, s7;
	s7 =	simm.s32 @!p0 $0x108  }
0x21: {  	s3 =	sadd.s32 s3, s9;
	s6 =	sadd.s32 @!p0 $0x88, s6;
	s7 =	simm.s32 @p2 $0x1082  }
0x22: {  	[simem:s7], [sflag:s8] =	dma.local @!p0 [hbm:s6], $0xF7A  }
0x23: {  	s9 =	sor.u32 $0xD0000000, s2;
	s6 =	simm.s32 $0x108;
	_ =	swait.ge @!p0 [sflag:s8], $0x0  }
0x24: {  	s3 =	sadd.s32 $0x88, s3;
	s6 =	simm.s32 @!p1 $0x1082;
	[sflag:s4] =	ssyncset.s32 $0xFFFFF086  }
0x25: {  	[simem:s6], [sflag:s4] =	dma.local [hbm:s3], $0xF7A  }
0x26: {  	[smem:$0x3FA0] =	sst s1;
	(tag) =	ssettag s2;
	_ =	strace s9  }
0x27: {  	s1 =	sld [smem:$0x3FB0]  }
0x28: {  	s2 =	sld [smem:$0x3FB1]  }
0x29: {  	s4 =	sld [smem:$0x3FB3]  }
0x2a: {  	p0 =	seq.s32 s5, $0x0;
	s5 =	sld [smem:$0x3FB4]  }
0x2b: {  	s6 =	sld [smem:$0x3FB5]  }
0x2c: {  	s7 =	sld [smem:$0x3FB6]  }
0x2d: {  	s3 =	simm.s32 $0x108;
	s8 =	sld [smem:$0x3FB7]  }
0x2e: {  	s3 =	simm.s32 @!p0 $0x1082;
	s9 =	sld [smem:$0x3FB8]  }
0x2f: {  	lr =	sadd.s32 s0, s3;
	s0 =	sld [smem:$0x3FAF]  }
0x30: {  	s3 =	sld [smem:$0x3FB2]  }
0x31: {  	[smem:$0x3FBB] =	sst s10  }
0x32: {  	s10 =	sld [smem:$0x3FB9];
	_ =	sdelay $0x3  }
0x33: {  	p0 =	seq.s32 s10, $0x1;
	s10 =	sld [smem:$0x3FBB];
	_ =	sdelay $0x3  }
0x34: {  	[smem:$0x3FBB] =	sst s10  }
0x35: {  	s10 =	sld [smem:$0x3FBA];
	_ =	sdelay $0x3  }
0x36: {  	p1 =	seq.s32 s10, $0x1;
	s10 =	sld [smem:$0x3FBB];
	_ =	sdelay $0x3  }
0x37: {  	[smem:$0x3FBB] =	sst s10  }
0x38: {  	s10 =	sld [smem:$0x3FBC]  }
0x39: {  	_ = 	snop;
	(pc) =	sbr.ind lr, $3  }
0x3a: {  	_ = 	snop  }
0x3b: {  	_ = 	snop  }
0x3c: {  	p2 =	seq.s32 s10, $0x1;
	s10 =	sld [smem:$0x3FBB]  }
0x3d: {  	_ =	shalt  }
0x3e: {  	_ =	shalt  }
0x3f: {  	_ =	shalt  }
0x40: {  	_ =	shalt  }
0x41: {  	_ =	shalt  }
0x42: {  	_ =	shalt  }
0x43: {  	_ =	shalt  }
0x44: {  	_ =	shalt  }
0x45: {  	_ =	shalt  }
0x46: {  	_ =	shalt  }
0x47: {  	_ =	shalt  }
0x48: {  	_ =	shalt  }
0x49: {  	_ =	shalt  }
0x4a: {  	_ =	shalt  }
0x4b: {  	_ =	shalt  }
0x4c: {  	_ =	shalt  }
0x4d: {  	_ =	shalt  }
0x4e: {  	_ =	shalt  }
0x4f: {  	_ =	shalt  }
0x50: {  	_ =	shalt  }
0x51: {  	_ =	shalt  }
0x52: {  	_ =	shalt  }
0x53: {  	_ =	shalt  }
0x54: {  	_ =	shalt  }
0x55: {  	_ =	shalt  }
0x56: {  	_ =	shalt  }
0x57: {  	_ =	shalt  }
0x58: {  	_ =	shalt  }
0x59: {  	_ =	shalt  }
0x5a: {  	_ =	shalt  }
0x5b: {  	_ =	shalt  }
0x5c: {  	_ =	shalt  }
0x5d: {  	_ =	shalt  }
0x5e: {  	_ =	shalt  }
0x5f: {  	_ =	shalt  }
0x60: {  	_ =	shalt  }
0x61: {  	_ =	shalt  }
0x62: {  	_ =	shalt  }
0x63: {  	_ =	shalt  }
0x64: {  	_ =	shalt  }
0x65: {  	_ =	shalt  }
0x66: {  	_ =	shalt  }
0x67: {  	_ =	shalt  }
0x68: {  	_ =	shalt  }
0x69: {  	_ =	shalt  }
0x6a: {  	_ =	shalt  }
0x6b: {  	_ =	shalt  }
0x6c: {  	_ =	shalt  }
0x6d: {  	_ =	shalt  }
0x6e: {  	_ =	shalt  }
0x6f: {  	_ =	shalt  }
0x70: {  	_ =	shalt  }
0x71: {  	_ =	shalt  }
0x72: {  	_ =	shalt  }
0x73: {  	_ =	shalt  }
0x74: {  	_ =	shalt  }
0x75: {  	_ =	shalt  }
0x76: {  	_ =	shalt  }
0x77: {  	_ =	shalt  }
0x78: {  	_ =	shalt  }
0x79: {  	_ =	shalt  }
0x7a: {  	_ =	shalt  }
0x7b: {  	_ =	shalt  }
0x7c: {  	_ =	shalt  }
0x7d: {  	_ =	shalt  }
0x7e: {  	_ =	shalt  }
0x7f: {  	_ =	shalt  }
0x80: {  	_ =	shalt  }
0x81: {  	_ =	shalt  }
0x82: {  	_ =	shalt  }
0x83: {  	_ =	shalt  }
0x84: {  	_ =	shalt  }
0x85: {  	_ =	shalt  }
0x86: {  	_ =	shalt  }
0x87: {  	_ =	shalt  }
.Lfunc_end0:
.L_simem_size_0:
called_computation_lowered:
.L_overlay_start_0:
0x88: {  	s2 =	sld [smem:$0x3FD9]  }
0x89: {  	s3 =	sld [smem:$0x3FFE];
	_ =	sdelay $0x1  }
0x8a: {  	s1 =	srdreg.scid  }
0x8b: {  	s0 =	sand.u32 $0x1, s1  }
0x8c: {  	s18 =	sshll.u32 s0, $0xA;
	s2 =	sadd.s32 s3, s2  }
0x8d: {  	s2 =	sadd.s32 s2, s18  }
0x8e: {  	[smem:$0x3FC7] =	sst s2  }
0x8f: {  	_ = 	snop  }
0x90: {  	s2 =	sld [smem:$0x3FC9]  }
0x91: {  	s19 =	sld [smem:$0x3FD0];
	(tm) =	ssettm $0x1  }
0x92: {  	s4 =	sld [smem:$0x3FFB];
	_ =	sdelay $0x3  }
0x93: {  	_ =	strace s4  }
0x94: {  	s4 =	sld [smem:$0x3FFC];
	_ =	sdelay $0x3  }
0x95: {  	_ =	strace s4  }
0x96: {  	s4 =	sld [smem:$0x3FFD];
	_ =	sdelay $0x3  }
0x97: {  	_ =	strace s4  }
0x98: {  	_ =	strace $0x8FFFFFFF  }
0x99: {  	s20 =	sld [smem:$0x3FDB];
	_ =	sdelay $0x1  }
0x9a: {  	s5 =	simm.s32 $_scs_section_size  }
0x9b: {  	s6 =	simm.s32 $_size__tile_overlayer_lowered;
	s7 =	simm.s32 $_tile_overlayer_lowered  }
0x9c: {  	s23 =	simm.s32 $0x1BFF;
	s22 =	sshll.u32 s7, $0x1;
	s4 =	sadd.s32 s5, s20  }
0x9d: {  	s8 =	simm.s32 $0x0;
	s21 =	sshll.u32 s6, $0x1;
	s6 =	sadd.s32 s22, s4  }
0x9e: {  	[timem:s8], [sflag:s23] =	dma.local [hbm:s6], s21  }
0x9f: {  	_ =	swait.ge [sflag:s23], s21  }
0xa0: {  	s5 =	ssub.s32 $0x0, s21;
	[sflag:s23] =	ssyncset.done $0x0  }
0xa1: {  	[sflag:s23] =	ssyncadd.s32 s5;
	_ =	sdelay $0x1  }
0xa2: {  	s24 =	simm.s32 $0x1B8B  }
0xa3: {  	_ =	swait.ge [sflag:s24], $0x1  }
0xa4: {  	[sflag:s24] =	ssyncset.done $0x0  }
0xa5: {  	s25 =	simm.s32 $0x1B8E;
	[sflag:s24] =	ssyncadd.s32 $0xFFFFFFFF  }
0xa6: {  	s26 =	simm.s32 $execute0_lowered;
	[smem:$0x3FD2] =	sst s25  }
0xa7: {  	s5 =	sshll.u32 s26, $0x1;
	_ =	strace $0x80000046;
	[dreg:$0x1] =	wrdreg $0xFFFFFFFF  }
0xa8: {  	s28 =	simm.s32 $_size_execute0_lowered;
	s4 =	sadd.s32 s4, s5;
	[dreg:$0x0] =	wrdreg $0x0  }
0xa9: {  	s5 =	sshll.u32 s28, $0x1;
	[dreg:$0x2] =	wrdreg s4  }
0xaa: {  	[dreg:$0x3] =	wrdreg s5  }
0xab: {  	[dreg:$0x4] =	wrdreg $0xC0  }
0xac: {  	_ =	task [dreg:s8], $0x5FFFF  }
0xad: {  	[dreg:$0x1] =	wrdreg $0xFFFFFFFF  }
0xae: {  	[dreg:$0x0] =	wrdreg $0x60  }
0xaf: {  	[dreg:$0x2] =	wrdreg s2  }
0xb0: {  	[dreg:$0x3] =	wrdreg s19  }
0xb1: {  	[dreg:$0x4] =	wrdreg $0x9  }
0xb2: {  	_ =	task.clear_ibuf [dreg:s8], $0x5FFFF;
	_ =	strace $0x90000046  }
0xb3: {  	s29 =	simm.s32 $0x9;
	_ =	strace $0x80000048  }
0xb4: {  	_ =	swait.ge [sflag:s29], $0x1  }
0xb5: {  	[sflag:s29] =	ssyncadd.s32 $0xFFFFFFFF  }
0xb6: {  	_ =	strace $0x90000048  }
0xb7: {  	_ =	sfence  }
0xb8: {  	s30 =	sld [smem:$0x0];
	_ =	sdelay $0x2  }
0xb9: {  	s31 =	sshll.u32 s1, $0xD;
	s1 =	sshrl.u32 s1, $0x2  }
0xba: {  	s3 =	sand.u32 $0x4000, s31;
	s1 =	sadd.s32 s1, s30  }
0xbb: {  	s0 =	sor.u32 s3, s0;
	s1 =	sshll.u32 s1, $0x11  }
0xbc: {  	s0 =	sor.u32 s1, s0  }
0xbd: {  	s0 =	sadd.s32 $0x8F2B, s0  }
0xbe: {  	[sflag:s0] =	ssyncadd.remote.s32 $0x1  }
0xbf: {  	_ =	sfence.sel $0xFFFF  }
0xc0: {  	[dreg:$0x0] =	wrdreg $0xFFFFFFFF;
	(pc) =	sbr.abs _section_cstart, $3  }
0xc1: {  	[dreg:$0x1] =	wrdreg $0xFFFFFFFF  }
0xc2: {  	_ =	task.clear_ibuf [dreg:s8], $0x2FFFF;
	_ =	strace $0x9FFFFFFF  }
0xc3: {  	(tm) =	ssettm $0x7FFFFFFF  }
tec
execute0_lowered:
.L_overlay_start_1:
0x0: {  	(tag) =	ssettag $0x1  }
0x1: {  	s1 =	rddreg [dreg:$0x0]  }
0x2: {  	s6 =	rddreg [dreg:$0x1];
	s3 =	srdreg.scid  }
0x3: {  	s0 =	rddreg [dreg:$0x2];
	s2 =	simm.s32 $0x0;
	s10 =	simm.s32 $0x3  }
0x4: {  	s11 =	simm.s32 $0x18000;
	s12 =	simm.s32 $0x10000;
	s13 =	simm.s32 $0x2  }
0x5: {  	s14 =	simm.s32 $0x1;
	s15 =	simm.s32 $0x0;
	s4 =	sand.u32 $0x1, s3  }
0x6: {  	[smem:$0x7FF] =	sst s2;
	s3 =	stileid.u32;
	s5 =	ssub.s32 $0x2, s4  }
.Ltmp0:
0x7: {  	_ =	strace $0x80000047;
	s31 =	sshll.u32 s3, $0x3;
	(pc) =	sbr.rel .LBB2_1-.Ltmp0, $4  }
0x8: {  	s8 =	sshll.u32 s4, $0x6;
	s4 =	sshll.u32 s4, $0x2;
	s9 =	sshll.u32 s3, $0xF  }
0x9: {  	s7 =	sshrl.u32 s5, $0x1;
	s8 =	sadd.s32 s1, s8;
	s4 =	sor.u32 s4, s31  }
0xa: {  	s6 =	sadd.s32 s6, s9;
	s7 =	ssub.s32 s5, s7;
	s5 =	sadd.s32 s9, s8  }
0xb: {  	v0 =	vimm.s32 $0x0;
	v1 =	vimm.s32 $0x1;
	v2 =	vimm.s32 $0xF;
	s8 =	simm.s32 $0x80;
	s9 =	simm.s32 $0x400;
	s7 =	smax.u32 s7, $0x1  }
.LBB2_24:
0xc: {  	s15 =	sadd.s32 $0x1, s15  }
0xd: {  	p0 =	sne.s32 s15, s7  }
.Ltmp1:
0xe: {  	_ = 	snop;
	(pc) =	sbr.rel @!p0 .LBB2_25-.Ltmp1, $4  }
0xf: {  	_ = 	snop  }
0x10: {  	_ =	swait.ge [sflag:s13], $0x8000  }
0x11: {  	[sflag:s13] =	ssyncset.done $0x0  }
0x12: {  	[sflag:s13] =	ssyncadd.s32 $0xFFFF8000  }
.LBB2_1:
0x13: {  	[tilespmem:s2], [sflag:$0x3] =	stream.strided.gather [hbm4b:s5+s8], $0x8000, s9, s8, $0x38;
	[tilespmem:$0x18800] =	vst v63  }
0x14: {  	_ =	swait.ge [sflag:s10], $0x8000  }
0x15: {  	[sflag:s10] =	ssyncset.done $0x0  }
0x16: {  	s16 =	simm.s32 $0x0;
	[sflag:s10] =	ssyncadd.s32 $0xFFFF8000  }
.LBB2_2:
0x17: {  	s19 =	simm.s32 $0x18040  }
0x18: {  	[tilespmem:s19+$0xFFFFFFC0] =	vst v0  }
0x19: {  	[tilespmem:s19+$0x30] =	vst v0  }
0x1a: {  	[tilespmem:s19+$0x20] =	vst v0  }
0x1b: {  	[tilespmem:s19+$0x10] =	vst v0  }
0x1c: {  	[tilespmem:s19+$0x0] =	vst v0  }
0x1d: {  	[tilespmem:s19+$0xFFFFFFF0] =	vst v0  }
0x1e: {  	s20 =	simm.s32 $0x0;
	s17 =	simm.s32 $0x8040;
	[tilespmem:s19+$0xFFFFFFE0] =	vst v0  }
.LBB2_3:
0x1f: {  	s20 =	sadd.s32 $0x8, s20;
	[tilespmem:s19+$0xFFFFFFD0] =	vst v0;
	s19 =	sadd.s32 $0x80, s19;
	s18 =	simm.s32 $0x40  }
0x20: {  	[tilespmem:s19+$0xFFFFFFC0] =	vst v0;
	p0 =	slt.u32 s20, $0x78  }
0x21: {  	[tilespmem:s19+$0x30] =	vst v0  }
.Ltmp2:
0x22: {  	[tilespmem:s19+$0x20] =	vst v0;
	(pc) =	sbr.rel @p0 .LBB2_3-.Ltmp2, $4  }
0x23: {  	[tilespmem:s19+$0x10] =	vst v0  }
0x24: {  	[tilespmem:s19+$0x0] =	vst v0  }
0x25: {  	[tilespmem:s19+$0xFFFFFFF0] =	vst v0  }
0x26: {  	[tilespmem:s19+$0xFFFFFFE0] =	vst v0  }
0x27: {  	[tilespmem:s19+$0xFFFFFFD0] =	vst v0  }
0x28: {  	v3 =	vld [tilespmem:s18+$0x30]  }
0x29: {  	v4 =	vld [tilespmem:s18+$0xFFFFFFD0]  }
0x2a: {  	v5 =	vld [tilespmem:s18+$0xFFFFFFE0]  }
0x2b: {  	v7 =	vld [tilespmem:s18+$0xFFFFFFF0]  }
0x2c: {  	v9 =	vld [tilespmem:s18+$0xFFFFFFC0];
	_ =	sdelay $0x1  }
0x2d: {  	v13 =	vld [tilespmem:s18+$0x10];
	v6 =	vand.u32 $0x7FFFFFFF, v3  }
0x2e: {  	vm0 =	vlt.s32 v3, $0x0;
	v8 =	vxor.u32 $0xFFFFFFFF, v3;
	v3 =	vor.u32 $0x80000000, v3  }
0x2f: {  	v16 =	vld [tilespmem:s18+$0x20];
	v10 =	vand.u32 $0x7FFFFFFF, v4;
	v11 =	vand.u32 $0x7FFFFFFF, v5;
	v14 =	vxor.u32 $0xFFFFFFFF, v5  }
0x30: {  	v15 =	vand.u32 $0x7FFFFFFF, v7;
	vm2 =	vlt.s32 v7, $0x0;
	v17 =	vand.u32 $0x7FFFFFFF, v9  }
0x31: {  	vm3 =	vlt.s32 v9, $0x0;
	v18 =	vxor.u32 $0xFFFFFFFF, v9;
	v9 =	vor.u32 $0x80000000, v9  }
0x32: {  	v19 =	vxor.u32 $0xFFFFFFFF, v7;
	v7 =	vor.u32 $0x80000000, v7;
	v22 =	vand.u32 $0x7FFFFFFF, v13  }
0x33: {  	vm5 =	vlt.s32 v13, $0x0;
	v23 =	vxor.u32 $0xFFFFFFFF, v13;
	v13 =	vor.u32 $0x80000000, v13  }
0x34: {  	v62 =	vand.u32 $0x7FFFFFFF, v16;
	v63 =	vxor.u32 $0xFFFFFFFF, v16;
	vm1 =	veq.s32 v6, $0x0  }
0x35: {  	v3 =	vsel vm0, v8, v3;
	vm0 =	vlt.s32 v4, $0x0;
	v6 =	vxor.u32 $0xFFFFFFFF, v4  }
0x36: {  	v4 =	vor.u32 $0x80000000, v4;
	v9 =	vsel vm3, v18, v9;
	vm3 =	vlt.s32 v16, $0x0  }
0x37: {  	vm6 =	veq.s32 v17, $0x0;
	v16 =	vor.u32 $0x80000000, v16;
	vm7 =	veq.s32 v10, $0x0  }
0x38: {  	v8 =	vld [tilespmem:s18+$0x0];
	vm8 =	veq.s32 v11, $0x0;
	vm9 =	veq.s32 v15, $0x0;
	v3 =	vsel vm1, $0x80000000, v3  }
0x39: {  	v7 =	vsel vm2, v19, v7;
	vm2 =	veq.s32 v62, $0x0;
	v12 =	vxor.u32 $0xFFFFFFFF, v3  }
0x3a: {  	vm1 =	vlt.s32 v5, $0x0;
	v5 =	vor.u32 $0x80000000, v5;
	v12 =	vshrl.u32 v12, $0x15  }
0x3b: {  	v10 =	vsel vm0, v6, v4;
	v4 =	vsel vm5, v23, v13;
	v6 =	vsel vm3, v63, v16  }
0x3c: {  	v7 =	vsel vm9, $0x80000000, v7;
	v11 =	vsel vm1, v14, v5;
	vm1 =	veq.s32 v22, $0x0  }
0x3d: {  	[tilespmem:s17+$0x30] =	vst v3;
	v3 =	vsel vm6, $0x80000000, v9;
	v9 =	vsel vm7, $0x80000000, v10;
	v20 =	vand.u32 $0x7FFFFFFF, v8  }
0x3e: {  	[tilespmem:s17+$0xFFFFFFC0] =	vst v3;
	vm4 =	vlt.s32 v8, $0x0;
	v21 =	vxor.u32 $0xFFFFFFFF, v8;
	v8 =	vor.u32 $0x80000000, v8  }
0x3f: {  	s19 =	simm.s32 $0xC0;
	s18 =	simm.s32 $0x0;
	vm0 =	veq.s32 v20, $0x0;
	v5 =	vsel vm4, v21, v8;
	v8 =	vsel vm8, $0x80000000, v11;
	[tilespmem:v12+s11+$0x0] =	vst.idx.add.s32.msk $0xffff, v1  }
.LBB2_5:
0x40: {  	v10 =	vld [tilespmem:s19+$0x30];
	[tilespmem:s17+$0xFFFFFFD0] =	vst v9;
	v5 =	vsel vm0, $0x80000000, v5;
	v4 =	vsel vm1, $0x80000000, v4;
	v6 =	vsel vm2, $0x80000000, v6  }
0x41: {  	s18 =	sadd.s32 $0x8, s18;
	v3 =	vxor.u32 $0xFFFFFFFF, v3;
	v9 =	vxor.u32 $0xFFFFFFFF, v9;
	v11 =	vld [tilespmem:s19+$0xFFFFFFD0];
	[tilespmem:s17+$0xFFFFFFE0] =	vst v8;
	v8 =	vxor.u32 $0xFFFFFFFF, v8  }
0x42: {  	p0 =	slt.u32 s18, $0x7F8;
	v13 =	vxor.u32 $0xFFFFFFFF, v5;
	v14 =	vxor.u32 $0xFFFFFFFF, v4;
	v12 =	vld [tilespmem:s19+$0xFFFFFFE0];
	[tilespmem:s17+$0xFFFFFFF0] =	vst v7;
	v7 =	vxor.u32 $0xFFFFFFFF, v7  }
0x43: {  	v3 =	vshrl.u32 v3, $0x15;
	v9 =	vshrl.u32 v9, $0x15;
	v15 =	vld [tilespmem:s19+$0xFFFFFFF0];
	[tilespmem:s17+$0x0] =	vst v5;
	v5 =	vxor.u32 $0xFFFFFFFF, v6  }
0x44: {  	v8 =	vshrl.u32 v8, $0x15;
	v13 =	vshrl.u32 v13, $0x15;
	v7 =	vshrl.u32 v7, $0x15;
	v16 =	vld [tilespmem:s19+$0x0];
	[tilespmem:s17+$0x10] =	vst v4  }
0x45: {  	v14 =	vshrl.u32 v14, $0x15;
	v5 =	vshrl.u32 v5, $0x15;
	v4 =	vld [tilespmem:s19+$0x10];
	v17 =	vand.u32 $0x7FFFFFFF, v10;
	[tilespmem:s17+$0x20] =	vst v6  }
0x46: {  	vm0 =	vlt.s32 v10, $0x0;
	v18 =	vxor.u32 $0xFFFFFFFF, v10;
	v10 =	vor.u32 $0x80000000, v10;
	v6 =	vld [tilespmem:s19+$0x20]  }
0x47: {  	v20 =	vand.u32 $0x7FFFFFFF, v11;
	vm1 =	veq.s32 v17, $0x0;
	v10 =	vsel vm0, v18, v10;
	v19 =	vld [tilespmem:s19+$0xFFFFFFC0]  }
0x48: {  	vm0 =	vlt.s32 v11, $0x0;
	v17 =	vxor.u32 $0xFFFFFFFF, v11;
	v10 =	vsel vm1, $0x80000000, v10;
	[tilespmem:v9+s11+$0x0] =	vst.idx.add.s32.msk $0xffff, v1  }
0x49: {  	v9 =	vor.u32 $0x80000000, v11;
	v11 =	vand.u32 $0x7FFFFFFF, v12;
	v18 =	vxor.u32 $0xFFFFFFFF, v10;
	[tilespmem:v8+s11+$0x0] =	vst.idx.add.s32.msk $0xffff, v1  }
0x4a: {  	vm1 =	vlt.s32 v12, $0x0;
	v8 =	vxor.u32 $0xFFFFFFFF, v12;
	v18 =	vshrl.u32 v18, $0x15;
	[tilespmem:v7+s11+$0x0] =	vst.idx.add.s32.msk $0xffff, v1  }
0x4b: {  	vm2 =	vlt.s32 v15, $0x0;
	v7 =	vor.u32 $0x80000000, v12;
	v12 =	vand.u32 $0x7FFFFFFF, v15;
	[tilespmem:v13+s11+$0x0] =	vst.idx.add.s32.msk $0xffff, v1  }
0x4c: {  	v13 =	vand.u32 $0x7FFFFFFF, v19;
	vm3 =	vlt.s32 v19, $0x0;
	v21 =	vxor.u32 $0xFFFFFFFF, v19;
	[tilespmem:v14+s11+$0x0] =	vst.idx.add.s32.msk $0xffff, v1  }
0x4d: {  	s17 =	sadd.s32 $0x80, s17;
	v14 =	vor.u32 $0x80000000, v19;
	v19 =	vxor.u32 $0xFFFFFFFF, v15;
	v15 =	vor.u32 $0x80000000, v15;
	[tilespmem:v5+s11+$0x0] =	vst.idx.add.s32.msk $0xffff, v1  }
0x4e: {  	vm4 =	vlt.s32 v16, $0x0;
	v22 =	vxor.u32 $0xFFFFFFFF, v16;
	v5 =	vand.u32 $0x7FFFFFFF, v16;
	[tilespmem:s17+$0x30] =	vst v10  }
0x4f: {  	vm5 =	vlt.s32 v4, $0x0;
	v10 =	vor.u32 $0x80000000, v16;
	v16 =	vand.u32 $0x7FFFFFFF, v4;
	[tilespmem:v18+s11+$0x0] =	vst.idx.add.s32.msk $0xffff, v1  }
0x50: {  	v23 =	vand.u32 $0x7FFFFFFF, v6;
	v18 =	vxor.u32 $0xFFFFFFFF, v4;
	v4 =	vor.u32 $0x80000000, v4;
	[tilespmem:v3+s11+$0x0] =	vst.idx.add.s32.msk $0xffff, v1  }
0x51: {  	vm6 =	vlt.s32 v6, $0x0;
	v24 =	vxor.u32 $0xFFFFFFFF, v6;
	v6 =	vor.u32 $0x80000000, v6  }
0x52: {  	vm7 =	veq.s32 v13, $0x0;
	v3 =	vsel vm3, v21, v14;
	vm3 =	veq.s32 v20, $0x0  }
.Ltmp3:
0x53: {  	v9 =	vsel vm0, v17, v9;
	vm8 =	veq.s32 v11, $0x0;
	v7 =	vsel vm1, v8, v7;
	(pc) =	sbr.rel @p0 .LBB2_5-.Ltmp3, $4  }
0x54: {  	vm9 =	veq.s32 v12, $0x0;
	v11 =	vsel vm2, v19, v15;
	vm0 =	veq.s32 v5, $0x0  }
0x55: {  	v5 =	vsel vm4, v22, v10;
	vm1 =	veq.s32 v16, $0x0;
	v4 =	vsel vm5, v18, v4  }
0x56: {  	v6 =	vsel vm6, v24, v6;
	vm2 =	veq.s32 v23, $0x0;
	v3 =	vsel vm7, $0x80000000, v3  }
0x57: {  	s19 =	sadd.s32 $0x80, s19;
	v8 =	vsel vm8, $0x80000000, v7;
	v7 =	vsel vm9, $0x80000000, v11;
	v9 =	vsel vm3, $0x80000000, v9;
	[tilespmem:s17+$0xFFFFFFC0] =	vst v3  }
0x58: {  	[tilespmem:s17+$0xFFFFFFD0] =	vst v9;
	v9 =	vxor.u32 $0xFFFFFFFF, v9  }
0x59: {  	[tilespmem:s17+$0xFFFFFFE0] =	vst v8;
	v8 =	vxor.u32 $0xFFFFFFFF, v8;
	v5 =	vsel vm0, $0x80000000, v5;
	v9 =	vshrl.u32 v9, $0x15  }
0x5a: {  	[tilespmem:s17+$0xFFFFFFF0] =	vst v7;
	v7 =	vxor.u32 $0xFFFFFFFF, v7;
	v4 =	vsel vm1, $0x80000000, v4;
	v8 =	vshrl.u32 v8, $0x15  }
0x5b: {  	v3 =	vxor.u32 $0xFFFFFFFF, v3;
	v10 =	vxor.u32 $0xFFFFFFFF, v5;
	[tilespmem:s17+$0x0] =	vst v5;
	v5 =	vshrl.u32 v7, $0x15  }
0x5c: {  	v6 =	vsel vm2, $0x80000000, v6;
	[tilespmem:s17+$0x10] =	vst v4;
	v3 =	vshrl.u32 v3, $0x15  }
0x5d: {  	v7 =	vxor.u32 $0xFFFFFFFF, v4;
	[tilespmem:s17+$0x20] =	vst v6;
	v10 =	vshrl.u32 v10, $0x15  }
0x5e: {  	v4 =	vxor.u32 $0xFFFFFFFF, v6;
	v7 =	vshrl.u32 v7, $0x15;
	[tilespmem:v9+s11+$0x0] =	vst.idx.add.s32.msk $0xffff, v1  }
0x5f: {  	p0 =	seq.s32 s16, $0x3;
	s17 =	sadd.s32 s4, s16;
	v4 =	vshrl.u32 v4, $0x15;
	[tilespmem:v8+s11+$0x0] =	vst.idx.add.s32.msk $0xffff, v1  }
0x60: {  	s18 =	sadd.s32 @!p0 $0x1, s17;
	[tilespmem:v5+s11+$0x0] =	vst.idx.add.s32.msk $0xffff, v1  }
0x61: {  	s19 =	sshll.u32 @!p0 s18, $0x4;
	[tilespmem:v3+s11+$0x0] =	vst.idx.add.s32.msk $0xffff, v1  }
0x62: {  	s28 =	simm.s32 $0x18020;
	s18 =	sshll.u32 @!p0 s18, $0xC;
	s19 =	sand.u32 @!p0 $0x70, s19;
	[tilespmem:v10+s11+$0x0] =	vst.idx.add.s32.msk $0xffff, v1  }
0x63: {  	s20 =	simm.s32 @!p0 $0x400;
	s18 =	sand.u32 @!p0 $0xFFF8000, s18;
	s19 =	sadd.s32 @!p0 s1, s19;
	[tilespmem:v7+s11+$0x0] =	vst.idx.add.s32.msk $0xffff, v1  }
0x64: {  	s21 =	simm.s32 @!p0 $0x0;
	s18 =	sadd.s32 @!p0 s18, s19;
	s19 =	simm.s32 @!p0 $0x80;
	[tilespmem:v4+s11+$0x0] =	vst.idx.add.s32.msk $0xffff, v1  }
0x65: {  	[tilespmem:s21], [sflag:$0x1] =	stream.strided.gather @!p0 [hbm4b:s18+s19], $0x8000, s20, s19, $0x38;
	[tilespmem:$0x18800] =	vst v63  }
0x66: {  	v3 =	vld [tilespmem:s28+$0xFFFFFFE0];
	_ =	sdelay $0x2  }
0x67: {  	v4 =	vld [tilespmem:s28+$0xFFFFFFF0];
	_ =	sdelay $0x1  }
0x68: {  	v5 =	vld [tilespmem:s28+$0x0];
	(xrf0) =	vadd.scan.msk.s32 $0xffff, v3;
	_ =	sdelay $0x1  }
0x69: {  	v3 =	vld [tilespmem:s28+$0x10]  }
0x6a: {  	(xrf0) =	vadd.scan.msk.s32 $0xffff, v4;
	_ =	sdelay $0x1  }
0x6b: {  	(xrf0) =	vadd.scan.msk.s32 $0xffff, v5  }
0x6c: {  	v11, _, _ =	vpop (xrf0)  }
0x6d: {  	(xrf0) =	vadd.scan.msk.s32 $0xffff, v3;
	v3 =	vperm.xlane v11, v2  }
0x6e: {  	v15 =	vimm.s32 $0x0;
	s29 =	simm.s32 $0x18060  }
0x6f: {  	v4, _, _ =	vpop (xrf0);
	v6 =	vadd.s32 v15, v3;
	v3 =	vld [tilespmem:s29+$0xFFFFFFE0]  }
0x70: {  	v12 =	vld [tilespmem:s29+$0xFFFFFFF0];
	v5 =	vperm.xlane v4, v2  }
0x71: {  	v13 =	vld [tilespmem:s29+$0x0];
	v8, _, _ =	vpop (xrf0);
	v9 =	vadd.s32 v4, v6  }
0x72: {  	v4 =	vperm.xlane v8, v2;
	v7 =	vadd.s32 v5, v6;
	vm0 =	vgt.s32 v9, $0xCCC  }
0x73: {  	v8 =	vadd.s32 v8, v7;
	v14 =	vmpcnt.ones.xlane vm0  }
0x74: {  	v23 =	vadd.s32 v15, v11;
	v16, _, _ =	vpop (xrf0);
	v5 =	vadd.s32 v4, v7;
	vm1 =	vgt.s32 v8, $0xCCC;
	(xrf0) =	vadd.scan.msk.s32 $0xffff, v3  }
0x75: {  	v4 =	vadd.s32 v16, v5;
	v11 =	vmpcnt.ones.xlane vm1;
	v10 =	vsub.s32 $0x10, v14;
	(xrf0) =	vadd.scan.msk.s32 $0xffff, v12  }
0x76: {  	s30 =	simm.s32 $0x10;
	vm3 =	vgt.s32 v14, $0x0;
	vm0 =	vgt.s32 v4, $0xCCC;
	v14 =	vld [tilespmem:s29+$0x10];
	v3 =	vperm.xlane v16, v2;
	(xrf0) =	vadd.scan.msk.s32 $0xffff, v13  }
0x77: {  	v12 =	vmpcnt.ones.xlane vm0;
	vm0 =	vgt.s32 v23, $0xCCC;
	v19 =	vadd.s32 s30, v10  }
0x78: {  	s31 =	simm.s32 $0x20;
	v18 =	vsub.s32 $0x10, v11;
	vm2 =	vgt.s32 v11, $0x0;
	v13 =	vmpcnt.ones.xlane vm0  }
0x79: {  	v3 =	vadd.s32 v3, v5;
	vm0 =	veq.s32 v15, $0x0;
	v21 =	vadd.s32 s31, v18  }
0x7a: {  	vm1 =	vgt.s32 v12, $0x0;
	v11 =	vsub.s32 $0x10, v12;
	vm4 =	vgt.s32 v13, $0x0;
	v16, _, _ =	vpop (xrf0)  }
0x7b: {  	s19 =	simm.s32 $0x0;
	v12 =	vsub.s32 $0x10, v13;
	(xrf0) =	vadd.scan.msk.s32 $0xffff, v14;
	vm0 =	vmand vm0, vm4;
	v13 =	vperm.xlane v16, v2;
	v14, _, _ =	vpop (xrf0)  }
0x7c: {  	v29 =	vsel vm4, $0x1, v15;
	v26 =	vadd.s32 s19, v12;
	v20 =	vperm.xlane v14, v2;
	v27, _, _ =	vpop (xrf0)  }
0x7d: {  	v22 =	vsel vm0, v12, v15;
	v17 =	vadd.s32 v3, v13;
	v24 =	vperm.xlane v27, v2  }
0x7e: {  	v25 =	vsel vm0, v15, v15;
	v13 =	vadd.s32 v20, v17;
	v20 =	vadd.s32 v14, v17  }
0x7f: {  	v26 =	vsel vm0, v26, v15;
	v28 =	vsel vm0, v23, v15;
	vm4 =	vgt.s32 v20, $0xCCC  }
0x80: {  	v12 =	vadd.s32 v24, v13;
	v30 =	vmpcnt.ones.xlane vm4;
	vm4 =	veq.s32 v29, $0x0  }
0x81: {  	v14 =	vadd.s32 v27, v13;
	v27 =	vsel vm3, $0x1, v29;
	v24, _, _ =	vpop (xrf0);
	vm3 =	vmand vm3, vm4  }
0x82: {  	s18 =	simm.s32 $0x40;
	s20 =	simm.s32 $0x80;
	s21 =	simm.s32 $0x180A0;
	v15 =	vadd.s32 v24, v12;
	v23 =	vsub.s32 $0x10, v30;
	vm0 =	vgt.s32 v30, $0x0  }
.LBB2_7:
0x83: {  	v29 =	vld [tilespmem:s21+$0xFFFFFFE0];
	p1 =	sne.s32 s20, $0x7C0;
	vm4 =	vgt.s32 v14, $0xCCC;
	v28 =	vsel vm3, v9, v28;
	vm5 =	veq.s32 v27, $0x0;
	v9 =	vmovc v20;
	s22 =	smov.u32 s20;
	s20 =	sadd.s32 $0x40, s20  }
0x84: {  	v27 =	vsel vm2, $0x1, v27;
	v20 =	vld [tilespmem:s21+$0xFFFFFFF0];
	v30 =	vmpcnt.ones.xlane vm4;
	vm4 =	vmand vm2, vm5  }
0x85: {  	v25 =	vsel vm3, v6, v25;
	v6 =	vmovc v17;
	vm5 =	vgt.s32 v15, $0xCCC;
	vm2 =	veq.s32 v27, $0x0;
	v31 =	vld [tilespmem:s21+$0x0]  }
0x86: {  	v17 =	vsel vm3, v19, v26;
	v19 =	vsel vm3, v10, v22;
	v10 =	vmovc v23;
	vm2 =	vmand vm1, vm2  }
0x87: {  	s23 =	sadd.s32 $0x30, s19;
	s19 =	smov.u32 s18;
	v23 =	vsel vm1, $0x1, v27;
	s18 =	smov.u32 s22;
	v17 =	vsel vm4, v21, v17;
	v18 =	vsel vm4, v18, v19  }
0x88: {  	v19 =	vperm.xlane v24, v2;
	v22 =	vsel vm4, v7, v25;
	v24 =	vadd.s32 s23, v11;
	v7 =	vmovc v13;
	v21 =	vld [tilespmem:s21+$0x10];
	(xrf0) =	vadd.scan.msk.s32 $0xffff, v29  }
0x89: {  	v13 =	vmpcnt.ones.xlane vm5;
	v26 =	vsel vm2, v24, v17;
	v24 =	vsel vm2, v5, v22;
	v5 =	vmovc v12;
	(xrf0) =	vadd.scan.msk.s32 $0xffff, v20  }
0x8a: {  	v27 =	vadd.s32 v3, v16;
	v16 =	vsel vm4, v8, v28;
	v12 =	vadd.s32 v19, v5;
	(xrf0) =	vadd.scan.msk.s32 $0xffff, v31  }
0x8b: {  	s22 =	sadd.s32 $0x10, s19;
	vm3 =	vgt.s32 v27, $0xCCC;
	v8 =	vmovc v14;
	v28 =	vsel vm2, v4, v16;
	v4 =	vmovc v15;
	vm1 =	vgt.s32 v13, $0x0  }
0x8c: {  	v14 =	vmpcnt.ones.xlane vm3;
	v15 =	vsel vm2, v11, v18;
	v19 =	vadd.s32 s22, v10  }
0x8d: {  	v18 =	vsub.s32 $0x10, v30;
	vm2 =	vgt.s32 v30, $0x0;
	v11 =	vsub.s32 $0x10, v13;
	(xrf0) =	vadd.scan.msk.s32 $0xffff, v21  }
0x8e: {  	vm3 =	veq.s32 v23, $0x0;
	s22 =	sadd.s32 $0x20, s19;
	v13 =	vsub.s32 $0x10, v14;
	vm4 =	vgt.s32 v14, $0x0;
	v16, _, _ =	vpop (xrf0)  }
0x8f: {  	vm3 =	vmand vm3, vm4;
	v21 =	vadd.s32 s22, v18;
	v14 =	vperm.xlane v16, v2;
	v20, _, _ =	vpop (xrf0)  }
0x90: {  	v23 =	vsel vm4, $0x1, v23;
	v22 =	vsel vm3, v13, v15;
	v25 =	vperm.xlane v20, v2;
	v29, _, _ =	vpop (xrf0)  }
0x91: {  	v15 =	vadd.s32 s19, v13;
	v17 =	vadd.s32 v12, v14;
	v14 =	vperm.xlane v29, v2  }
.Ltmp4:
0x92: {  	v13 =	vadd.s32 v25, v17;
	v20 =	vadd.s32 v20, v17;
	v25 =	vsel vm3, v3, v24;
	v3 =	vmovc v12;
	(pc) =	sbr.rel @p1 .LBB2_7-.Ltmp4, $4  }
0x93: {  	v26 =	vsel vm3, v15, v26;
	v12 =	vadd.s32 v14, v13;
	vm4 =	vgt.s32 v20, $0xCCC;
	v24, _, _ =	vpop (xrf0)  }
0x94: {  	v28 =	vsel vm3, v27, v28;
	v14 =	vadd.s32 v29, v13;
	v30 =	vmpcnt.ones.xlane vm4  }
0x95: {  	v27 =	vsel vm0, $0x1, v23;
	vm3 =	veq.s32 v23, $0x0;
	v15 =	vadd.s32 v24, v12  }
0x96: {  	s21 =	sadd.s32 $0x40, s21;
	vm3 =	vmand vm0, vm3;
	v23 =	vsub.s32 $0x10, v30;
	vm0 =	vgt.s32 v30, $0x0  }
0x97: {  	vm4 =	vgt.s32 v14, $0xCCC  }
0x98: {  	v9 =	vsel vm3, v9, v28;
	vm5 =	veq.s32 v27, $0x0;
	v56 =	vsel vm2, $0x1, v27  }
0x99: {  	vm14 =	vgt.s32 v15, $0xCCC;
	v6 =	vsel vm3, v6, v25;
	v19 =	vsel vm3, v19, v26  }
0x9a: {  	v10 =	vsel vm3, v10, v22;
	v16 =	vadd.s32 v3, v16;
	v24 =	vmpcnt.ones.xlane vm4  }
0x9b: {  	vm13 =	vmand vm2, vm5;
	vm15 =	veq.s32 v56, $0x0;
	v57 =	vsel vm1, $0x1, v56  }
0x9c: {  	s19 =	sadd.s32 $0x30, s19;
	v58 =	vmpcnt.ones.xlane vm14;
	vm7 =	vgt.s32 v16, $0xCCC;
	vm6 =	vmand vm1, vm15  }
0x9d: {  	v19 =	vsel vm13, v21, v19;
	v6 =	vsel vm13, v7, v6;
	v7 =	vadd.s32 s19, v11  }
0x9e: {  	v10 =	vsel vm13, v18, v10;
	vm8 =	veq.s32 v57, $0x0;
	v7 =	vsel vm6, v7, v19  }
0x9f: {  	v5 =	vsel vm6, v5, v6;
	v6 =	vsel vm13, v8, v9;
	vm2 =	vgt.s32 v58, $0x0  }
0xa0: {  	v8 =	vmpcnt.ones.xlane vm7;
	v59 =	vsel vm6, v11, v10;
	v60 =	vsub.s32 $0x10, v24  }
0xa1: {  	s29 =	sadd.s32 $0x10, s18;
	s30 =	sadd.s32 $0x20, s18;
	vm10 =	vgt.s32 v24, $0x0;
	v61 =	vsub.s32 $0x10, v58;
	v4 =	vsel vm6, v4, v6  }
0xa2: {  	v6 =	vadd.s32 s29, v23;
	v62 =	vadd.s32 s30, v60;
	vm9 =	vgt.s32 v8, $0x0  }
0xa3: {  	v8 =	vsub.s32 $0x10, v8;
	vm1 =	vmand vm8, vm9;
	v18 =	vsel vm9, $0x1, v57  }
0xa4: {  	v9 =	vsel vm1, v8, v59;
	v8 =	vadd.s32 s18, v8;
	v3 =	vsel vm1, v3, v5  }
0xa5: {  	vm3 =	veq.s32 v18, $0x0;
	v5 =	vsel vm1, v8, v7;
	v7 =	vsel vm0, $0x1, v18  }
0xa6: {  	s19 =	simm.s32 $0x18040;
	vm11 =	vmand vm0, vm3;
	vm12 =	veq.s32 v7, $0x0;
	v7 =	vsel vm10, $0x1, v7  }
0xa7: {  	[tilespmem:s19+$0xFFFFFFC0] =	vst v0;
	vm3 =	vmand vm10, vm12;
	vm13 =	veq.s32 v7, $0x0;
	v7 =	vsel vm11, v23, v9  }
0xa8: {  	[tilespmem:s19+$0x30] =	vst v0;
	v4 =	vsel vm1, v16, v4;
	vm14 =	vmand vm2, vm13;
	v7 =	vsel vm3, v60, v7  }
0xa9: {  	[tilespmem:s19+$0x20] =	vst v0;
	v8 =	vsel vm11, v20, v4;
	v5 =	vsel vm11, v6, v5;
	v4 =	vsel vm14, v61, v7  }
0xaa: {  	[tilespmem:s19+$0x10] =	vst v0;
	v3 =	vsel vm11, v17, v3;
	v5 =	vsel vm3, v62, v5;
	v6 =	vadd.s32 $0xFFFFFFFF, v4  }
0xab: {  	s31 =	sadd.s32 $0x30, s18;
	[tilespmem:s19+$0x0] =	vst v0;
	v7 =	vsel vm3, v13, v3;
	v3 =	vsel vm3, v14, v8;
	vm15 =	vgt.s32 v6, $0x0  }
0xac: {  	[tilespmem:s19+$0xFFFFFFF0] =	vst v0;
	v8 =	vadd.s32 s31, v61;
	v63 =	vsel vm14, v15, v3;
	v6 =	vnsel vm15, $0x0, v6  }
0xad: {  	[tilespmem:s19+$0xFFFFFFE0] =	vst v0;
	s18 =	simm.s32 $0x0;
	v3 =	vsel vm14, v8, v5;
	v5 =	vsel vm14, v12, v7;
	v6 =	vperm.xlane v63, v6  }
.LBB2_9:
0xae: {  	s18 =	sadd.s32 $0x8, s18;
	[tilespmem:s19+$0xFFFFFFD0] =	vst v0;
	s19 =	sadd.s32 $0x80, s19  }
0xaf: {  	[tilespmem:s19+$0xFFFFFFC0] =	vst v0;
	p1 =	slt.u32 s18, $0x78  }
0xb0: {  	[tilespmem:s19+$0x30] =	vst v0  }
.Ltmp5:
0xb1: {  	[tilespmem:s19+$0x20] =	vst v0;
	(pc) =	sbr.rel @p1 .LBB2_9-.Ltmp5, $4  }
0xb2: {  	[tilespmem:s19+$0x10] =	vst v0  }
0xb3: {  	[tilespmem:s19+$0x0] =	vst v0  }
0xb4: {  	[tilespmem:s19+$0xFFFFFFF0] =	vst v0  }
0xb5: {  	[tilespmem:s19+$0xFFFFFFE0] =	vst v0  }
0xb6: {  	[tilespmem:s19+$0xFFFFFFD0] =	vst v0;
	s31 =	simm.s32 $0x8040  }
0xb7: {  	v7 =	vld [tilespmem:s31+$0x30]  }
0xb8: {  	v8 =	vld [tilespmem:s31+$0xFFFFFFE0]  }
0xb9: {  	v9 =	vld [tilespmem:s31+$0x20]  }
0xba: {  	v10 =	vld [tilespmem:s31+$0x0]  }
0xbb: {  	v13 =	vld [tilespmem:s31+$0xFFFFFFF0];
	_ =	sdelay $0x1  }
0xbc: {  	v7 =	vxor.u32 $0xFFFFFFFF, v7  }
0xbd: {  	v15 =	vxor.u32 $0xFFFFFFFF, v8;
	v12 =	vshrl.u32 v7, $0xA;
	v7 =	vshrl.u32 v7, $0x15  }
0xbe: {  	vm2 =	veq.s32 v7, v3;
	v7 =	vxor.u32 $0xFFFFFFFF, v10;
	v10 =	vand.u32 $0x7FF, v12;
	v12 =	vld [tilespmem:s31+$0xFFFFFFD0]  }
0xbf: {  	v14 =	vld [tilespmem:s31+$0xFFFFFFC0];
	v8 =	vxor.u32 $0xFFFFFFFF, v9;
	v13 =	vxor.u32 $0xFFFFFFFF, v13;
	v9 =	vshrl.u32 v15, $0x15  }
0xc0: {  	v11 =	vshrl.u32 v8, $0x15;
	v8 =	vshrl.u32 v8, $0xA;
	v15 =	vshrl.u32 v15, $0xA  }
0xc1: {  	vm0 =	veq.s32 v9, v3;
	v9 =	vld [tilespmem:s31+$0x10];
	v16 =	vshrl.u32 v7, $0x15;
	v7 =	vshrl.u32 v7, $0xA  }
0xc2: {  	s18 =	simm.s32 $0x0;
	s19 =	simm.s32 $0x80C0;
	v8 =	vand.u32 $0x7FF, v8;
	vm1 =	veq.s32 v16, v3;
	v7 =	vand.u32 $0x7FF, v7  }
.LBB2_11:
0xc3: {  	v16 =	vld [tilespmem:s19+$0x30];
	s18 =	sadd.s32 $0x8, s18;
	v12 =	vxor.u32 $0xFFFFFFFF, v12;
	v15 =	vand.u32 $0x7FF, v15;
	v17 =	vshrl.u32 v13, $0x15  }
0xc4: {  	v14 =	vxor.u32 $0xFFFFFFFF, v14;
	v18 =	vld [tilespmem:s19+$0xFFFFFFE0];
	p1 =	slt.u32 s18, $0x7F8;
	v19 =	vshrl.u32 v12, $0x15;
	vm3 =	veq.s32 v17, v3  }
0xc5: {  	v13 =	vshrl.u32 v13, $0xA;
	vm5 =	veq.s32 v11, v3;
	v17 =	vld [tilespmem:s19+$0x20];
	vm4 =	veq.s32 v19, v3  }
0xc6: {  	v11 =	vshrl.u32 v14, $0x15;
	v19 =	vshrl.u32 v12, $0xA;
	v12 =	vxor.u32 $0xFFFFFFFF, v9;
	[tilespmem:v10+s11+$0x0] =	vst.idx.add.s32.msk vm2, v1  }
0xc7: {  	vm2 =	veq.s32 v11, v3;
	v11 =	vshrl.u32 v14, $0xA;
	v14 =	vshrl.u32 v12, $0x15;
	v10 =	vld [tilespmem:s19+$0x0]  }
0xc8: {  	v20 =	vand.u32 $0x7FF, v11;
	vm6 =	veq.s32 v14, v3;
	v11 =	vshrl.u32 v12, $0xA;
	v9 =	vld [tilespmem:s19+$0x10]  }
0xc9: {  	v19 =	vand.u32 $0x7FF, v19;
	v21 =	vand.u32 $0x7FF, v11;
	v12 =	vld [tilespmem:s19+$0xFFFFFFD0]  }
0xca: {  	v23 =	vand.u32 $0x7FF, v13;
	v22 =	vld [tilespmem:s19+$0xFFFFFFF0]  }
0xcb: {  	[tilespmem:v8+s11+$0x0] =	vst.idx.add.s32.msk vm5, v1  }
0xcc: {  	v8 =	vxor.u32 $0xFFFFFFFF, v16;
	v14 =	vld [tilespmem:s19+$0xFFFFFFC0]  }
0xcd: {  	v13 =	vxor.u32 $0xFFFFFFFF, v17;
	v16 =	vxor.u32 $0xFFFFFFFF, v18;
	v17 =	vshrl.u32 v8, $0xA;
	[tilespmem:v15+s11+$0x0] =	vst.idx.add.s32.msk vm0, v1  }
.Ltmp6:
0xce: {  	v11 =	vshrl.u32 v13, $0x15;
	v8 =	vshrl.u32 v8, $0x15;
	v15 =	vshrl.u32 v16, $0x15;
	[tilespmem:v20+s11+$0x0] =	vst.idx.add.s32.msk vm2, v1;
	(pc) =	sbr.rel @p1 .LBB2_11-.Ltmp6, $4  }
0xcf: {  	v13 =	vshrl.u32 v13, $0xA;
	vm0 =	veq.s32 v15, v3;
	vm2 =	veq.s32 v8, v3;
	[tilespmem:v21+s11+$0x0] =	vst.idx.add.s32.msk vm6, v1  }
0xd0: {  	v15 =	vxor.u32 $0xFFFFFFFF, v10;
	v8 =	vand.u32 $0x7FF, v13;
	v10 =	vand.u32 $0x7FF, v17;
	[tilespmem:v7+s11+$0x0] =	vst.idx.add.s32.msk vm1, v1  }
0xd1: {  	v13 =	vxor.u32 $0xFFFFFFFF, v22;
	v17 =	vshrl.u32 v15, $0xA;
	v7 =	vshrl.u32 v15, $0x15;
	[tilespmem:v19+s11+$0x0] =	vst.idx.add.s32.msk vm4, v1  }
0xd2: {  	s19 =	sadd.s32 $0x80, s19;
	v15 =	vshrl.u32 v16, $0xA;
	vm1 =	veq.s32 v7, v3;
	v7 =	vand.u32 $0x7FF, v17;
	[tilespmem:v23+s11+$0x0] =	vst.idx.add.s32.msk vm3, v1  }
0xd3: {  	v12 =	vxor.u32 $0xFFFFFFFF, v12;
	v14 =	vxor.u32 $0xFFFFFFFF, v14  }
0xd4: {  	vm3 =	veq.s32 v11, v3;
	v11 =	vand.u32 $0x7FF, v15;
	v9 =	vxor.u32 $0xFFFFFFFF, v9  }
0xd5: {  	v16 =	vshrl.u32 v13, $0x15;
	v15 =	vshrl.u32 v14, $0x15;
	v14 =	vshrl.u32 v14, $0xA  }
0xd6: {  	vm4 =	veq.s32 v15, v3;
	v15 =	vshrl.u32 v9, $0x15;
	v14 =	vand.u32 $0x7FF, v14  }
0xd7: {  	v9 =	vshrl.u32 v9, $0xA;
	vm5 =	veq.s32 v15, v3;
	v15 =	vshrl.u32 v12, $0x15  }
0xd8: {  	[tilespmem:v10+s11+$0x0] =	vst.idx.add.s32.msk vm2, v1;
	v9 =	vand.u32 $0x7FF, v9;
	v12 =	vshrl.u32 v12, $0xA;
	vm6 =	veq.s32 v15, v3  }
0xd9: {  	v10 =	vshrl.u32 v13, $0xA;
	[tilespmem:v7+s11+$0x0] =	vst.idx.add.s32.msk vm1, v1;
	vm2 =	veq.s32 v16, v3;
	v12 =	vand.u32 $0x7FF, v12  }
0xda: {  	[tilespmem:v8+s11+$0x0] =	vst.idx.add.s32.msk vm3, v1;
	v8 =	vand.u32 $0x7FF, v10  }
0xdb: {  	[tilespmem:v11+s11+$0x0] =	vst.idx.add.s32.msk vm0, v1  }
0xdc: {  	[tilespmem:v14+s11+$0x0] =	vst.idx.add.s32.msk vm4, v1  }
0xdd: {  	[tilespmem:v9+s11+$0x0] =	vst.idx.add.s32.msk vm5, v1  }
0xde: {  	[tilespmem:v12+s11+$0x0] =	vst.idx.add.s32.msk vm6, v1  }
0xdf: {  	s18 =	simm.s32 $0x18020;
	[tilespmem:v8+s11+$0x0] =	vst.idx.add.s32.msk vm2, v1  }
0xe0: {  	v7 =	vld [tilespmem:s18+$0xFFFFFFE0];
	_ =	sdelay $0x2  }
0xe1: {  	v8 =	vld [tilespmem:s18+$0xFFFFFFF0]  }
0xe2: {  	v9 =	vld [tilespmem:s18+$0x0]  }
0xe3: {  	(xrf0) =	vadd.scan.msk.s32 $0xffff, v7;
	_ =	sdelay $0x1  }
0xe4: {  	v7 =	vld [tilespmem:s18+$0x10]  }
0xe5: {  	(xrf0) =	vadd.scan.msk.s32 $0xffff, v8  }
0xe6: {  	(xrf0) =	vadd.scan.msk.s32 $0xffff, v9;
	_ =	sdelay $0x1  }
0xe7: {  	v13, _, _ =	vpop (xrf0)  }
0xe8: {  	(xrf0) =	vadd.scan.msk.s32 $0xffff, v7;
	v7 =	vperm.xlane v13, v2  }
0xe9: {  	v17 =	vimm.s32 $0x0;
	s29 =	simm.s32 $0x18060;
	vm0 =	veq.s32 v4, $0x0  }
0xea: {  	v4 =	vsel vm0, v5, v6;
	v14 =	vld [tilespmem:s29+$0xFFFFFFE0];
	v5, _, _ =	vpop (xrf0);
	v8 =	vadd.s32 v17, v7  }
0xeb: {  	v6 =	vperm.xlane v5, v2;
	v10, _, _ =	vpop (xrf0);
	v11 =	vadd.s32 v5, v8;
	v5 =	vld [tilespmem:s29+$0xFFFFFFF0]  }
0xec: {  	v4 =	vsub.s32 $0xCCD, v4;
	v15 =	vld [tilespmem:s29+$0x0];
	v7 =	vperm.xlane v10, v2  }
0xed: {  	v9 =	vadd.s32 v6, v8;
	vm0 =	vge.s32 v11, v4  }
0xee: {  	v7 =	vadd.s32 v7, v9;
	v18, _, _ =	vpop (xrf0);
	v10 =	vadd.s32 v10, v9;
	v16 =	vmpcnt.ones.xlane vm0  }
0xef: {  	(xrf0) =	vadd.scan.msk.s32 $0xffff, v14;
	v25 =	vadd.s32 v17, v13;
	v6 =	vadd.s32 v18, v7;
	vm1 =	vge.s32 v10, v4  }
0xf0: {  	vm0 =	vge.s32 v6, v4;
	v13 =	vmpcnt.ones.xlane vm1;
	v12 =	vsub.s32 $0x10, v16;
	(xrf0) =	vadd.scan.msk.s32 $0xffff, v5  }
0xf1: {  	s30 =	simm.s32 $0x10;
	v14 =	vld [tilespmem:s29+$0x10];
	vm3 =	vgt.s32 v16, $0x0;
	v16 =	vperm.xlane v18, v2;
	v18 =	vmpcnt.ones.xlane vm0;
	(xrf0) =	vadd.scan.msk.s32 $0xffff, v15  }
0xf2: {  	vm0 =	vge.s32 v25, v4;
	v21 =	vadd.s32 s30, v12  }
0xf3: {  	v20 =	vsub.s32 $0x10, v13;
	vm2 =	vgt.s32 v13, $0x0;
	v15 =	vmpcnt.ones.xlane vm0  }
0xf4: {  	s31 =	simm.s32 $0x20;
	v5 =	vadd.s32 v16, v7;
	vm1 =	vgt.s32 v18, $0x0;
	v13 =	vsub.s32 $0x10, v18  }
0xf5: {  	vm0 =	veq.s32 v17, $0x0;
	v23 =	vadd.s32 s31, v20;
	v18, _, _ =	vpop (xrf0);
	vm4 =	vgt.s32 v15, $0x0  }
0xf6: {  	s19 =	simm.s32 $0x0;
	(xrf0) =	vadd.scan.msk.s32 $0xffff, v14;
	v14 =	vsub.s32 $0x10, v15;
	v15 =	vperm.xlane v18, v2;
	vm0 =	vmand vm0, vm4;
	v16, _, _ =	vpop (xrf0)  }
0xf7: {  	v31 =	vsel vm4, $0x1, v17;
	v28 =	vadd.s32 s19, v14;
	v22 =	vperm.xlane v16, v2;
	v29, _, _ =	vpop (xrf0)  }
0xf8: {  	v24 =	vsel vm0, v14, v17;
	v19 =	vadd.s32 v5, v15;
	v26 =	vperm.xlane v29, v2  }
0xf9: {  	v27 =	vsel vm0, v17, v17;
	v15 =	vadd.s32 v22, v19;
	v22 =	vadd.s32 v16, v19  }
0xfa: {  	v28 =	vsel vm0, v28, v17;
	v30 =	vsel vm0, v25, v17;
	vm4 =	vge.s32 v22, v4  }
0xfb: {  	v14 =	vadd.s32 v26, v15;
	v32 =	vmpcnt.ones.xlane vm4;
	vm4 =	veq.s32 v31, $0x0  }
0xfc: {  	v16 =	vadd.s32 v29, v15;
	v29 =	vsel vm3, $0x1, v31;
	v26, _, _ =	vpop (xrf0);
	vm3 =	vmand vm3, vm4  }
0xfd: {  	s20 =	simm.s32 $0x80;
	s21 =	simm.s32 $0x180A0;
	s18 =	simm.s32 $0x40;
	v17 =	vadd.s32 v26, v14;
	v25 =	vsub.s32 $0x10, v32;
	vm0 =	vgt.s32 v32, $0x0  }
.LBB2_13:
0xfe: {  	v31 =	vld [tilespmem:s21+$0xFFFFFFE0];
	p1 =	sne.s32 s20, $0x7C0;
	vm4 =	vge.s32 v16, v4;
	v30 =	vsel vm3, v11, v30;
	vm5 =	veq.s32 v29, $0x0;
	v11 =	vmovc v22;
	s22 =	smov.u32 s20;
	s20 =	sadd.s32 $0x40, s20  }
0xff: {  	v29 =	vsel vm2, $0x1, v29;
	v22 =	vld [tilespmem:s21+$0xFFFFFFF0];
	v32 =	vmpcnt.ones.xlane vm4;
	vm4 =	vmand vm2, vm5  }
0x100: {  	v27 =	vsel vm3, v8, v27;
	v8 =	vmovc v19;
	vm5 =	vge.s32 v17, v4;
	vm2 =	veq.s32 v29, $0x0;
	v33 =	vld [tilespmem:s21+$0x0]  }
0x101: {  	v19 =	vsel vm3, v21, v28;
	v21 =	vsel vm3, v12, v24;
	v12 =	vmovc v25;
	vm2 =	vmand vm1, vm2  }
0x102: {  	s23 =	sadd.s32 $0x30, s19;
	s19 =	smov.u32 s18;
	v25 =	vsel vm1, $0x1, v29;
	s18 =	smov.u32 s22;
	v19 =	vsel vm4, v23, v19;
	v20 =	vsel vm4, v20, v21  }
0x103: {  	v21 =	vperm.xlane v26, v2;
	v24 =	vsel vm4, v9, v27;
	v26 =	vadd.s32 s23, v13;
	v9 =	vmovc v15;
	v23 =	vld [tilespmem:s21+$0x10];
	(xrf0) =	vadd.scan.msk.s32 $0xffff, v31  }
0x104: {  	v15 =	vmpcnt.ones.xlane vm5;
	v28 =	vsel vm2, v26, v19;
	v26 =	vsel vm2, v7, v24;
	v7 =	vmovc v14;
	(xrf0) =	vadd.scan.msk.s32 $0xffff, v22  }
0x105: {  	v29 =	vadd.s32 v5, v18;
	v18 =	vsel vm4, v10, v30;
	v14 =	vadd.s32 v21, v7;
	(xrf0) =	vadd.scan.msk.s32 $0xffff, v33  }
0x106: {  	s22 =	sadd.s32 $0x10, s19;
	vm3 =	vge.s32 v29, v4;
	v10 =	vmovc v16;
	v30 =	vsel vm2, v6, v18;
	v6 =	vmovc v17;
	vm1 =	vgt.s32 v15, $0x0  }
0x107: {  	v16 =	vmpcnt.ones.xlane vm3;
	v17 =	vsel vm2, v13, v20;
	v21 =	vadd.s32 s22, v12  }
0x108: {  	v20 =	vsub.s32 $0x10, v32;
	vm2 =	vgt.s32 v32, $0x0;
	v13 =	vsub.s32 $0x10, v15;
	(xrf0) =	vadd.scan.msk.s32 $0xffff, v23  }
0x109: {  	vm3 =	veq.s32 v25, $0x0;
	s22 =	sadd.s32 $0x20, s19;
	v15 =	vsub.s32 $0x10, v16;
	vm4 =	vgt.s32 v16, $0x0;
	v18, _, _ =	vpop (xrf0)  }
0x10a: {  	vm3 =	vmand vm3, vm4;
	v23 =	vadd.s32 s22, v20;
	v16 =	vperm.xlane v18, v2;
	v22, _, _ =	vpop (xrf0)  }
0x10b: {  	v25 =	vsel vm4, $0x1, v25;
	v24 =	vsel vm3, v15, v17;
	v27 =	vperm.xlane v22, v2;
	v31, _, _ =	vpop (xrf0)  }
0x10c: {  	v17 =	vadd.s32 s19, v15;
	v19 =	vadd.s32 v14, v16;
	v16 =	vperm.xlane v31, v2  }
.Ltmp7:
0x10d: {  	v15 =	vadd.s32 v27, v19;
	v22 =	vadd.s32 v22, v19;
	v27 =	vsel vm3, v5, v26;
	v5 =	vmovc v14;
	(pc) =	sbr.rel @p1 .LBB2_13-.Ltmp7, $4  }
0x10e: {  	v28 =	vsel vm3, v17, v28;
	v14 =	vadd.s32 v16, v15;
	vm4 =	vge.s32 v22, v4;
	v26, _, _ =	vpop (xrf0)  }
0x10f: {  	v30 =	vsel vm3, v29, v30;
	v16 =	vadd.s32 v31, v15;
	v32 =	vmpcnt.ones.xlane vm4  }
0x110: {  	v29 =	vsel vm0, $0x1, v25;
	vm3 =	veq.s32 v25, $0x0;
	v17 =	vadd.s32 v26, v14  }
0x111: {  	s21 =	sadd.s32 $0x40, s21;
	vm3 =	vmand vm0, vm3;
	v25 =	vsub.s32 $0x10, v32;
	vm0 =	vgt.s32 v32, $0x0  }
0x112: {  	vm4 =	vge.s32 v16, v4  }
0x113: {  	v11 =	vsel vm3, v11, v30;
	vm5 =	veq.s32 v29, $0x0;
	v58 =	vsel vm2, $0x1, v29  }
0x114: {  	vm14 =	vge.s32 v17, v4;
	v8 =	vsel vm3, v8, v27;
	v21 =	vsel vm3, v21, v28  }
0x115: {  	v12 =	vsel vm3, v12, v24;
	v18 =	vadd.s32 v5, v18;
	v26 =	vmpcnt.ones.xlane vm4  }
0x116: {  	vm13 =	vmand vm2, vm5;
	vm15 =	veq.s32 v58, $0x0;
	v59 =	vsel vm1, $0x1, v58  }
0x117: {  	s19 =	sadd.s32 $0x30, s19;
	v60 =	vmpcnt.ones.xlane vm14;
	vm7 =	vge.s32 v18, v4;
	vm6 =	vmand vm1, vm15  }
0x118: {  	v21 =	vsel vm13, v23, v21;
	v8 =	vsel vm13, v9, v8;
	v9 =	vadd.s32 s19, v13  }
0x119: {  	v12 =	vsel vm13, v20, v12;
	vm8 =	veq.s32 v59, $0x0;
	v9 =	vsel vm6, v9, v21  }
0x11a: {  	v7 =	vsel vm6, v7, v8;
	v8 =	vsel vm13, v10, v11;
	vm2 =	vgt.s32 v60, $0x0  }
0x11b: {  	v10 =	vmpcnt.ones.xlane vm7;
	v11 =	vsel vm6, v13, v12;
	v61 =	vsub.s32 $0x10, v26  }
0x11c: {  	s29 =	sadd.s32 $0x10, s18;
	s30 =	sadd.s32 $0x20, s18;
	vm10 =	vgt.s32 v26, $0x0;
	v62 =	vsub.s32 $0x10, v60;
	v6 =	vsel vm6, v6, v8  }
0x11d: {  	v8 =	vadd.s32 s29, v25;
	v63 =	vadd.s32 s30, v61;
	vm9 =	vgt.s32 v10, $0x0  }
0x11e: {  	v10 =	vsub.s32 $0x10, v10;
	vm1 =	vmand vm8, vm9;
	v20 =	vsel vm9, $0x1, v59  }
0x11f: {  	v11 =	vsel vm1, v10, v11;
	v10 =	vadd.s32 s18, v10;
	v7 =	vsel vm1, v5, v7  }
0x120: {  	vm3 =	veq.s32 v20, $0x0;
	v5 =	vsel vm1, v10, v9;
	v9 =	vsel vm0, $0x1, v20  }
0x121: {  	s19 =	simm.s32 $0x18040;
	vm11 =	vmand vm0, vm3;
	vm12 =	veq.s32 v9, $0x0;
	v9 =	vsel vm10, $0x1, v9  }
0x122: {  	[tilespmem:s19+$0xFFFFFFC0] =	vst v0;
	vm3 =	vmand vm10, vm12;
	vm13 =	veq.s32 v9, $0x0;
	v9 =	vsel vm11, v25, v11  }
0x123: {  	s31 =	sadd.s32 $0x30, s18;
	[tilespmem:s19+$0x30] =	vst v0;
	v6 =	vsel vm1, v18, v6;
	vm14 =	vmand vm2, vm13;
	v9 =	vsel vm3, v61, v9  }
0x124: {  	[tilespmem:s19+$0x20] =	vst v0;
	v10 =	vadd.s32 s31, v62;
	v8 =	vsel vm11, v8, v5;
	v5 =	vsel vm14, v62, v9  }
0x125: {  	[tilespmem:s19+$0x10] =	vst v0;
	v6 =	vsel vm11, v22, v6;
	v7 =	vsel vm11, v19, v7;
	v9 =	vadd.s32 $0xFFFFFFFF, v5  }
0x126: {  	[tilespmem:s19+$0x0] =	vst v0;
	v8 =	vsel vm3, v63, v8;
	v6 =	vsel vm3, v16, v6;
	vm15 =	vgt.s32 v9, $0x0  }
0x127: {  	[tilespmem:s19+$0xFFFFFFF0] =	vst v0;
	v7 =	vsel vm3, v15, v7;
	v11 =	vsel vm14, v17, v6;
	v9 =	vnsel vm15, $0x0, v9  }
0x128: {  	[tilespmem:s19+$0xFFFFFFE0] =	vst v0;
	s18 =	simm.s32 $0x0;
	v8 =	vsel vm14, v10, v8;
	v6 =	vsel vm14, v14, v7;
	v7 =	vperm.xlane v11, v9  }
.LBB2_15:
0x129: {  	s18 =	sadd.s32 $0x8, s18;
	[tilespmem:s19+$0xFFFFFFD0] =	vst v0;
	s19 =	sadd.s32 $0x80, s19  }
0x12a: {  	[tilespmem:s19+$0xFFFFFFC0] =	vst v0;
	p1 =	slt.u32 s18, $0x38  }
0x12b: {  	[tilespmem:s19+$0x30] =	vst v0  }
.Ltmp8:
0x12c: {  	[tilespmem:s19+$0x20] =	vst v0;
	(pc) =	sbr.rel @p1 .LBB2_15-.Ltmp8, $4  }
0x12d: {  	[tilespmem:s19+$0x10] =	vst v0  }
0x12e: {  	[tilespmem:s19+$0x0] =	vst v0  }
0x12f: {  	[tilespmem:s19+$0xFFFFFFF0] =	vst v0  }
0x130: {  	[tilespmem:s19+$0xFFFFFFE0] =	vst v0  }
0x131: {  	[tilespmem:s19+$0xFFFFFFD0] =	vst v0;
	s18 =	simm.s32 $0x8040  }
0x132: {  	v9 =	vld [tilespmem:s18+$0x30]  }
0x133: {  	v10 =	vld [tilespmem:s18+$0xFFFFFFD0]  }
0x134: {  	v11 =	vld [tilespmem:s18+$0xFFFFFFE0]  }
0x135: {  	v12 =	vld [tilespmem:s18+$0xFFFFFFF0]  }
0x136: {  	v14 =	vld [tilespmem:s18+$0x0]  }
0x137: {  	v3 =	vshll.u32 v3, $0xB;
	v15 =	vld [tilespmem:s18+$0x10]  }
0x138: {  	v3 =	vor.u32 v3, v8;
	v8 =	vld [tilespmem:s18+$0x20]  }
0x139: {  	v17 =	vld [tilespmem:s18+$0xFFFFFFC0];
	v13 =	vxor.u32 $0xFFFFFFFF, v9  }
0x13a: {  	v16 =	vxor.u32 $0xFFFFFFFF, v10;
	v10 =	vandn.u32 $0x3FF, v10;
	v18 =	vxor.u32 $0xFFFFFFFF, v11  }
0x13b: {  	v57 =	vxor.u32 $0xFFFFFFFF, v12;
	v9 =	vandn.u32 $0x3FF, v9;
	v13 =	vshrl.u32 v13, $0xA  }
0x13c: {  	v59 =	vxor.u32 $0xFFFFFFFF, v14;
	v16 =	vshrl.u32 v16, $0xA;
	vm4 =	veq.s32 v13, v3  }
0x13d: {  	v60 =	vxor.u32 $0xFFFFFFFF, v15;
	v62 =	vxor.u32 $0xFFFFFFFF, v8;
	vm7 =	veq.s32 v16, v3  }
0x13e: {  	v19 =	vxor.u32 $0xFFFFFFFF, v17;
	v11 =	vandn.u32 $0x3FF, v11;
	v58 =	vshrl.u32 v57, $0xA  }
0x13f: {  	v61 =	vshrl.u32 v60, $0xA;
	v63 =	vshrl.u32 v19, $0xA;
	v13 =	vshrl.u32 v18, $0xA  }
0x140: {  	vm1 =	veq.s32 v58, v3;
	vm0 =	veq.s32 v13, v3;
	v13 =	vshrl.u32 v59, $0xA  }
0x141: {  	vm3 =	veq.s32 v61, v3;
	vm2 =	veq.s32 v13, v3;
	v13 =	vshrl.u32 v62, $0xA  }
0x142: {  	v12 =	vandn.u32 $0x3FF, v12;
	vm5 =	veq.s32 v63, v3;
	vm6 =	veq.s32 v13, v3;
	[tilespmem:v9+s11+$0x0] =	vst.idx.add.s32.msk vm4, v1  }
0x143: {  	s19 =	simm.s32 $0x80C0;
	s18 =	simm.s32 $0x0;
	v13 =	vandn.u32 $0x3FF, v17;
	[tilespmem:v10+s11+$0x0] =	vst.idx.add.s32.msk vm7, v1;
	v10 =	vandn.u32 $0x3FF, v14;
	v9 =	vandn.u32 $0x3FF, v15  }
.LBB2_17:
0x144: {  	v14 =	vld [tilespmem:s19+$0x30];
	s18 =	sadd.s32 $0x8, s18;
	v15 =	vandn.u32 $0x3FF, v8;
	vm4 =	vmmov vm6  }
0x145: {  	v8 =	vld [tilespmem:s19+$0xFFFFFFD0];
	p1 =	slt.u32 s18, $0x7F8  }
0x146: {  	v16 =	vld [tilespmem:s19+$0xFFFFFFE0]  }
0x147: {  	v17 =	vld [tilespmem:s19+$0xFFFFFFF0]  }
0x148: {  	v18 =	vld [tilespmem:s19+$0x0]  }
0x149: {  	v19 =	vld [tilespmem:s19+$0x10];
	v20 =	vxor.u32 $0xFFFFFFFF, v14  }
0x14a: {  	v21 =	vxor.u32 $0xFFFFFFFF, v8;
	v22 =	vandn.u32 $0x3FF, v8;
	v8 =	vld [tilespmem:s19+$0x20];
	v20 =	vshrl.u32 v20, $0xA  }
0x14b: {  	v23 =	vld [tilespmem:s19+$0xFFFFFFC0];
	v21 =	vshrl.u32 v21, $0xA;
	v24 =	vxor.u32 $0xFFFFFFFF, v16;
	vm7 =	veq.s32 v20, v3  }
0x14c: {  	v14 =	vandn.u32 $0x3FF, v14;
	v20 =	vshrl.u32 v24, $0xA;
	v24 =	vxor.u32 $0xFFFFFFFF, v17;
	[tilespmem:v13+s11+$0x0] =	vst.idx.add.s32.msk vm5, v1  }
0x14d: {  	vm8 =	veq.s32 v21, v3;
	v13 =	vshrl.u32 v24, $0xA;
	v21 =	vxor.u32 $0xFFFFFFFF, v18;
	[tilespmem:v11+s11+$0x0] =	vst.idx.add.s32.msk vm0, v1  }
0x14e: {  	vm0 =	veq.s32 v20, v3;
	v11 =	vshrl.u32 v21, $0xA;
	v20 =	vxor.u32 $0xFFFFFFFF, v19;
	[tilespmem:v12+s11+$0x0] =	vst.idx.add.s32.msk vm1, v1  }
.Ltmp9:
0x14f: {  	vm1 =	veq.s32 v13, v3;
	v12 =	vshrl.u32 v20, $0xA;
	v13 =	vxor.u32 $0xFFFFFFFF, v8;
	[tilespmem:v10+s11+$0x0] =	vst.idx.add.s32.msk vm2, v1;
	(pc) =	sbr.rel @p1 .LBB2_17-.Ltmp9, $4  }
0x150: {  	vm2 =	veq.s32 v11, v3;
	v10 =	vxor.u32 $0xFFFFFFFF, v23;
	v11 =	vshrl.u32 v13, $0xA;
	[tilespmem:v9+s11+$0x0] =	vst.idx.add.s32.msk vm3, v1  }
0x151: {  	vm3 =	veq.s32 v12, v3;
	v9 =	vshrl.u32 v10, $0xA;
	vm6 =	veq.s32 v11, v3;
	[tilespmem:v14+s11+$0x0] =	vst.idx.add.s32.msk vm7, v1  }
0x152: {  	v13 =	vandn.u32 $0x3FF, v23;
	v11 =	vandn.u32 $0x3FF, v16;
	vm5 =	veq.s32 v9, v3;
	[tilespmem:v15+s11+$0x0] =	vst.idx.add.s32.msk vm4, v1  }
0x153: {  	s19 =	sadd.s32 $0x80, s19;
	v12 =	vandn.u32 $0x3FF, v17;
	v10 =	vandn.u32 $0x3FF, v18;
	v9 =	vandn.u32 $0x3FF, v19;
	[tilespmem:v22+s11+$0x0] =	vst.idx.add.s32.msk vm8, v1  }
0x154: {  	_ =	sdelay $0x4  }
0x155: {  	v8 =	vandn.u32 $0x3FF, v8;
	[tilespmem:v13+s11+$0x0] =	vst.idx.add.s32.msk vm5, v1  }
0x156: {  	[tilespmem:v11+s11+$0x0] =	vst.idx.add.s32.msk vm0, v1  }
0x157: {  	[tilespmem:v12+s11+$0x0] =	vst.idx.add.s32.msk vm1, v1  }
0x158: {  	[tilespmem:v10+s11+$0x0] =	vst.idx.add.s32.msk vm2, v1  }
0x159: {  	[tilespmem:v9+s11+$0x0] =	vst.idx.add.s32.msk vm3, v1  }
0x15a: {  	s18 =	simm.s32 $0x18020;
	[tilespmem:v8+s11+$0x0] =	vst.idx.add.s32.msk vm6, v1  }
0x15b: {  	v8 =	vld [tilespmem:s18+$0xFFFFFFE0]  }
0x15c: {  	v9 =	vld [tilespmem:s18+$0xFFFFFFF0];
	_ =	sdelay $0x3  }
0x15d: {  	v10 =	vld [tilespmem:s18+$0x10];
	(xrf0) =	vadd.scan.msk.s32 $0xffff, v8  }
0x15e: {  	v11 =	vld [tilespmem:s18+$0x0];
	(xrf0) =	vadd.scan.msk.s32 $0xffff, v9  }
0x15f: {  	vm0 =	veq.s32 v5, $0x0;
	s19 =	simm.s32 $0x30  }
0x160: {  	v5 =	vsel vm0, v6, v7;
	v6 =	vmov s19;
	_ =	sdelay $0x1  }
0x161: {  	vm4 =	vmmov vm6;
	s20 =	simm.s32 $0x20;
	(xrf0) =	vadd.scan.msk.s32 $0xffff, v10  }
0x162: {  	v13 =	vimm.s32 $0x0;
	s24 =	simm.s32 $0x10;
	v7 =	vmov s20;
	v10 =	vadd.s32 $0x10, v6;
	(xrf0) =	vadd.scan.msk.s32 $0xffff, v11;
	v6, _, _ =	vpop (xrf0)  }
0x163: {  	v4 =	vsub.s32 v4, v5;
	v5 =	vmov s24;
	v7 =	vadd.s32 $0x10, v7;
	v9, _, _ =	vpop (xrf0)  }
0x164: {  	s25 =	simm.s32 $0x0;
	s26 =	simm.s32 $0x18060;
	v5 =	vadd.s32 $0x10, v5;
	v8 =	vperm.xlane v6, v2;
	v12 =	vperm.xlane v9, v2  }
0x165: {  	v7 =	vbroadcast v7, $0x0;
	v5 =	vbroadcast v5, $0x0;
	v17 =	vld [tilespmem:s26+$0xFFFFFFE0];
	v11 =	vmov s25  }
0x166: {  	v11 =	vadd.s32 $0x10, v11;
	v6 =	vadd.s32 v13, v6;
	v8 =	vadd.s32 v13, v8  }
0x167: {  	v14, _, _ =	vpop (xrf0);
	vm0 =	vge.s32 v6, v4;
	v6 =	vadd.s32 v12, v8;
	v8 =	vadd.s32 v9, v8  }
0x168: {  	v11 =	vbroadcast v11, $0x0;
	v18 =	vmpcnt.ones.xlane vm0;
	v9 =	vld [tilespmem:s26+$0xFFFFFFF0];
	vm2 =	vge.s32 v8, v4;
	v12, _, _ =	vpop (xrf0)  }
0x169: {  	s28 =	simm.s32 $0x60;
	v19 =	vmpcnt.ones.xlane vm2;
	v16 =	vadd.s32 v12, v6;
	v12 =	vperm.xlane v12, v2  }
0x16a: {  	(xrf0) =	vadd.scan.msk.s32 $0xffff, v17;
	v17 =	vmov s28;
	v15 =	vperm.xlane v14, v2;
	vm1 =	vgt.s32 v18, $0x0  }
0x16b: {  	vm0 =	vge.s32 v16, v4;
	vm3 =	vgt.s32 v19, $0x0;
	v6 =	vadd.s32 v12, v6;
	v12 =	vld [tilespmem:s26+$0x10]  }
0x16c: {  	s29 =	simm.s32 $0x50;
	v16 =	vmpcnt.ones.xlane vm0;
	vm0 =	veq.s32 v13, $0x0;
	v8 =	vadd.s32 v14, v6;
	v14 =	vld [tilespmem:s26+$0x0]  }
0x16d: {  	(xrf0) =	vadd.scan.msk.s32 $0xffff, v9;
	v9 =	vsub.s32 v5, v19;
	v5 =	vmov s29;
	v15 =	vadd.s32 v15, v6  }
0x16e: {  	vm0 =	vmand vm0, vm1;
	v6 =	vsub.s32 v7, v16;
	vm2 =	vge.s32 v8, v4  }
0x16f: {  	s30 =	simm.s32 $0x70;
	v7 =	vsub.s32 v11, v18;
	v18 =	vbroadcast v10, $0x0;
	v11 =	vmpcnt.ones.xlane vm2  }
0x170: {  	v10 =	vadd.s32 $0x10, v17;
	v8 =	vsel vm0, v7, v13;
	v7 =	vmov s30;
	(xrf0) =	vadd.scan.msk.s32 $0xffff, v12  }
0x171: {  	v10 =	vbroadcast v10, $0x0;
	vm0 =	vgt.s32 v11, $0x0;
	v12 =	vadd.s32 $0x10, v5;
	(xrf0) =	vadd.scan.msk.s32 $0xffff, v14  }
0x172: {  	s31 =	simm.s32 $0x40;
	v5 =	vadd.s32 $0x10, v7;
	v11 =	vsub.s32 v18, v11;
	v7 =	vbroadcast v12, $0x0;
	v14, _, _ =	vpop (xrf0)  }
0x173: {  	v12 =	vmov s31;
	v17 =	vperm.xlane v14, v2;
	v14 =	vadd.s32 v15, v14;
	v19, _, _ =	vpop (xrf0)  }
0x174: {  	v12 =	vadd.s32 $0x10, v12;
	v18 =	vperm.xlane v19, v2;
	vm4 =	vge.s32 v14, v4  }
0x175: {  	v14 =	vsel vm1, $0x1, v13;
	v13 =	vadd.s32 v15, v17;
	v15 =	vmpcnt.ones.xlane vm4  }
0x176: {  	vm2 =	vgt.s32 v16, $0x0;
	v12 =	vbroadcast v12, $0x0;
	vm4 =	veq.s32 v14, $0x0;
	v16, _, _ =	vpop (xrf0)  }
0x177: {  	v18 =	vadd.s32 v18, v13;
	v13 =	vadd.s32 v19, v13;
	vm1 =	vgt.s32 v15, $0x0;
	v19, _, _ =	vpop (xrf0)  }
0x178: {  	vm5 =	vge.s32 v13, v4;
	v17 =	vperm.xlane v16, v2;
	v20 =	vadd.s32 v19, v18  }
0x179: {  	v13 =	vmpcnt.ones.xlane vm5;
	vm5 =	vge.s32 v20, v4;
	v20 =	vsel vm3, $0x1, v14  }
0x17a: {  	s19 =	simm.s32 $0x180A0;
	s18 =	simm.s32 $0x80;
	v19 =	vperm.xlane v19, v2;
	v14 =	vmpcnt.ones.xlane vm5;
	vm5 =	veq.s32 v20, $0x0  }
.LBB2_19:
0x17b: {  	v21 =	vld [tilespmem:s19+$0xFFFFFFE0];
	p1 =	sne.s32 s18, $0x3C0;
	vm3 =	vmand vm3, vm4;
	vm4 =	vmand vm2, vm5;
	v20 =	vsel vm2, $0x1, v20;
	s20 =	smov.u32 s18;
	s18 =	sadd.s32 $0x40, s18  }
0x17c: {  	v22 =	vld [tilespmem:s19+$0xFFFFFFF0];
	v18 =	vadd.s32 v19, v18;
	v8 =	vsel vm3, v9, v8;
	vm2 =	veq.s32 v20, $0x0  }
0x17d: {  	v19 =	vld [tilespmem:s19+$0x10];
	v17 =	vadd.s32 v17, v18;
	v6 =	vsel vm4, v6, v8;
	vm2 =	vmand vm0, vm2  }
0x17e: {  	v8 =	vadd.s32 v16, v18;
	v18 =	vsel vm0, $0x1, v20;
	v9 =	vsel vm2, v11, v6  }
0x17f: {  	vm0 =	veq.s32 v18, $0x0;
	v6 =	vsub.s32 v10, v14;
	vm2 =	vge.s32 v8, v4;
	v11 =	vld [tilespmem:s19+$0x0]  }
0x180: {  	s21 =	sadd.s32 $0x20, s20;
	v8 =	vsub.s32 v12, v15;
	vm0 =	vmand vm0, vm1;
	v12 =	vmpcnt.ones.xlane vm2;
	(xrf0) =	vadd.scan.msk.s32 $0xffff, v21  }
0x181: {  	s22 =	sadd.s32 $0x10, s20;
	s23 =	sadd.s32 $0x30, s20;
	v10 =	vmov s21;
	v8 =	vsel vm0, v8, v9;
	v9 =	vsub.s32 v7, v13;
	(xrf0) =	vadd.scan.msk.s32 $0xffff, v22  }
0x182: {  	v15 =	vmov s23;
	v7 =	vmov s22;
	vm0 =	vgt.s32 v12, $0x0;
	(xrf0) =	vadd.scan.msk.s32 $0xffff, v19  }
0x183: {  	v16 =	vbroadcast v5, $0x0;
	v5 =	vadd.s32 $0x10, v15;
	v7 =	vadd.s32 $0x10, v7  }
0x184: {  	v10 =	vadd.s32 $0x10, v10;
	v7 =	vbroadcast v7, $0x0;
	(xrf0) =	vadd.scan.msk.s32 $0xffff, v11  }
0x185: {  	v20 =	vmov s20;
	v10 =	vbroadcast v10, $0x0;
	v11 =	vsub.s32 v16, v12  }
0x186: {  	vm3 =	vgt.s32 v13, $0x0;
	vm2 =	vgt.s32 v14, $0x0;
	v12 =	vadd.s32 $0x10, v20;
	v15, _, _ =	vpop (xrf0)  }
0x187: {  	v12 =	vbroadcast v12, $0x0;
	v13 =	vperm.xlane v15, v2;
	v14 =	vadd.s32 v17, v15;
	v19, _, _ =	vpop (xrf0)  }
0x188: {  	v20 =	vperm.xlane v19, v2;
	vm4 =	vge.s32 v14, v4;
	v16, _, _ =	vpop (xrf0);
	v14 =	vsel vm1, $0x1, v18  }
.Ltmp10:
0x189: {  	v13 =	vadd.s32 v17, v13;
	v17 =	vperm.xlane v16, v2;
	v15 =	vmpcnt.ones.xlane vm4;
	(pc) =	sbr.rel @p1 .LBB2_19-.Ltmp10, $4  }
0x18a: {  	vm4 =	veq.s32 v14, $0x0;
	v18 =	vadd.s32 v20, v13;
	v13 =	vadd.s32 v19, v13;
	v19, _, _ =	vpop (xrf0)  }
0x18b: {  	vm1 =	vgt.s32 v15, $0x0;
	vm5 =	vge.s32 v13, v4;
	v20 =	vadd.s32 v19, v18  }
0x18c: {  	v13 =	vmpcnt.ones.xlane vm5;
	vm5 =	vge.s32 v20, v4;
	v20 =	vsel vm3, $0x1, v14  }
0x18d: {  	s19 =	sadd.s32 $0x40, s19;
	v19 =	vperm.xlane v19, v2;
	v14 =	vmpcnt.ones.xlane vm5;
	vm5 =	veq.s32 v20, $0x0  }
0x18e: {  	vm3 =	vmand vm3, vm4;
	vm4 =	vmand vm2, vm5;
	v17 =	vsel vm2, $0x1, v20  }
0x18f: {  	v7 =	vsub.s32 v7, v13;
	v5 =	vbroadcast v5, $0x0;
	v18 =	vadd.s32 v19, v18  }
0x190: {  	p1 =	seq.s32 s16, $0x0;
	v8 =	vsel vm3, v9, v8;
	vm2 =	veq.s32 v17, $0x0;
	v9 =	vsel vm0, $0x1, v17  }
0x191: {  	s18 =	simm.s32 @!p1 $0x2;
	v6 =	vsel vm4, v6, v8;
	v8 =	vadd.s32 v16, v18;
	vm2 =	vmand vm0, vm2  }
0x192: {  	_ =	swait.ge @!p1 [sflag:s18], $0x8000;
	vm0 =	vge.s32 v8, v4;
	v4 =	vsel vm2, v11, v6;
	vm2 =	veq.s32 v9, $0x0  }
0x193: {  	v8 =	vsub.s32 v10, v14;
	v10 =	vsub.s32 v12, v15;
	v9 =	vsel vm1, $0x1, v9;
	[sflag:s18] =	ssyncset.done @!p1 $0x0  }
0x194: {  	s31 =	simm.s32 $0x8040;
	v6 =	vmpcnt.ones.xlane vm0;
	vm0 =	vmand vm2, vm1;
	vm2 =	vgt.s32 v13, $0x0;
	[sflag:s18] =	ssyncadd.s32 @!p1 $0xFFFF8000  }
0x195: {  	vm1 =	vgt.s32 v14, $0x0;
	vm3 =	veq.s32 v9, $0x0;
	v4 =	vsel vm0, v10, v4;
	v11 =	vld [tilespmem:s31+$0x10]  }
0x196: {  	v9 =	vsel vm2, $0x1, v9;
	vm2 =	vmand vm2, vm3;
	v14 =	vld [tilespmem:s31+$0x20];
	vm0 =	vgt.s32 v6, $0x0  }
0x197: {  	vm4 =	veq.s32 v9, $0x0;
	v9 =	vsel vm1, $0x1, v9;
	v4 =	vsel vm2, v7, v4;
	v7 =	vld [tilespmem:s31+$0x30]  }
0x198: {  	v5 =	vsub.s32 v5, v6;
	v6 =	vld [tilespmem:s31+$0xFFFFFFD0];
	vm1 =	vmand vm1, vm4;
	vm2 =	veq.s32 v9, $0x0  }
0x199: {  	v4 =	vsel vm1, v8, v4;
	vm0 =	vmand vm0, vm2  }
0x19a: {  	v3 =	vshll.u32 v3, $0xA;
	v9 =	vld [tilespmem:s31+$0x0];
	v4 =	vsel vm0, v5, v4  }
0x19b: {  	v3 =	vor.u32 v3, v4;
	vm2 =	vlt.s32 v11, $0x0  }
0x19c: {  	v8 =	vld [tilespmem:s31+$0xFFFFFFF0];
	vm3 =	vlt.s32 v14, $0x0;
	v3 =	vxor.u32 $0x7FFFFFFF, v3;
	v5 =	vxor.u32 $0x80000000, v7  }
0x19d: {  	v4 =	vld [tilespmem:s31+$0xFFFFFFE0];
	v10 =	vxor.u32 $0xFFFFFFFF, v7;
	vm0 =	vlt.s32 v7, $0x0;
	v13 =	vxor.u32 $0x80000000, v6  }
0x19e: {  	v12 =	vxor.u32 $0xFFFFFFFF, v6;
	vm4 =	vlt.s32 v6, $0x0;
	v6 =	vxor.u32 $0x80000000, v11  }
0x19f: {  	v7 =	vsel vm0, v5, v10;
	vm0 =	vlt.s32 v5, v3;
	vm1 =	vlt.s32 v9, $0x0  }
0x1a0: {  	v10 =	vld [tilespmem:s31+$0xFFFFFFC0];
	v12 =	vsel vm4, v13, v12;
	vm4 =	vlt.s32 v13, v3;
	v15 =	vsel vm0, $0x0, v7  }
0x1a1: {  	v5 =	vxor.u32 $0x80000000, v8;
	v7 =	vxor.u32 $0xFFFFFFFF, v8;
	vm0 =	vlt.s32 v8, $0x0  }
0x1a2: {  	v8 =	vxor.u32 $0xFFFFFFFF, v9;
	v60 =	vxor.u32 $0x80000000, v4;
	v61 =	vxor.u32 $0xFFFFFFFF, v4  }
0x1a3: {  	vm5 =	vlt.s32 v4, $0x0;
	v4 =	vxor.u32 $0x80000000, v9;
	v9 =	vxor.u32 $0xFFFFFFFF, v11  }
0x1a4: {  	v11 =	vxor.u32 $0xFFFFFFFF, v14;
	v13 =	vsel vm5, v60, v61;
	vm5 =	vlt.s32 v60, v3  }
0x1a5: {  	s18 =	simm.s32 $0x10040;
	v62 =	vxor.u32 $0x80000000, v10;
	v63 =	vxor.u32 $0xFFFFFFFF, v10;
	vm6 =	vlt.s32 v10, $0x0  }
0x1a6: {  	s20 =	simm.s32 $0x0;
	s21 =	simm.s32 $0x80C0;
	s19 =	simm.s32 $0x10040;
	[tilespmem:s18+$0x30] =	vst v15;
	v10 =	vxor.u32 $0x80000000, v14;
	v14 =	vsel vm6, v62, v63;
	vm6 =	vlt.s32 v62, v3  }
.LBB2_21:
0x1a7: {  	v15 =	vld [tilespmem:s21+$0x30];
	s20 =	sadd.s32 $0x8, s20;
	v7 =	vsel vm0, v5, v7;
	vm0 =	vlt.s32 v5, v3;
	v5 =	vsel vm1, v4, v8  }
0x1a8: {  	vm1 =	vlt.s32 v4, v3;
	v4 =	vsel vm2, v6, v9;
	vm2 =	vlt.s32 v6, v3;
	v8 =	vld [tilespmem:s21+$0xFFFFFFD0];
	p1 =	slt.u32 s20, $0x7F8  }
0x1a9: {  	v9 =	vsel vm6, $0x0, v14;
	v11 =	vsel vm3, v10, v11;
	vm3 =	vlt.s32 v10, v3;
	v6 =	vld [tilespmem:s21+$0xFFFFFFE0]  }
0x1aa: {  	v7 =	vsel vm0, $0x0, v7;
	v10 =	vld [tilespmem:s21+$0xFFFFFFF0];
	[tilespmem:s18+$0xFFFFFFC0] =	vst v9;
	v9 =	vsel vm4, $0x0, v12;
	v12 =	vsel vm5, $0x0, v13  }
0x1ab: {  	v5 =	vsel vm1, $0x0, v5;
	v4 =	vsel vm2, $0x0, v4;
	v13 =	vld [tilespmem:s21+$0x0];
	[tilespmem:s18+$0xFFFFFFD0] =	vst v9;
	v9 =	vsel vm3, $0x0, v11  }
0x1ac: {  	v11 =	vld [tilespmem:s21+$0x10];
	v14 =	vxor.u32 $0x80000000, v15;
	v16 =	vxor.u32 $0xFFFFFFFF, v15;
	vm0 =	vlt.s32 v15, $0x0;
	[tilespmem:s18+$0xFFFFFFE0] =	vst v12  }
0x1ad: {  	v15 =	vxor.u32 $0x80000000, v8;
	v12 =	vld [tilespmem:s21+$0x20];
	v16 =	vsel vm0, v14, v16;
	vm0 =	vlt.s32 v14, v3;
	[tilespmem:s18+$0xFFFFFFF0] =	vst v7  }
0x1ae: {  	v17 =	vxor.u32 $0xFFFFFFFF, v8;
	vm4 =	vlt.s32 v8, $0x0;
	s18 =	sadd.s32 $0x80, s18;
	v14 =	vld [tilespmem:s21+$0xFFFFFFC0];
	v7 =	vsel vm0, $0x0, v16;
	[tilespmem:s19+$0x0] =	vst v5  }
0x1af: {  	v16 =	vxor.u32 $0x80000000, v6;
	v18 =	vxor.u32 $0xFFFFFFFF, v6;
	vm5 =	vlt.s32 v6, $0x0;
	[tilespmem:s18+$0x30] =	vst v7  }
0x1b0: {  	v5 =	vxor.u32 $0x80000000, v10;
	v7 =	vxor.u32 $0xFFFFFFFF, v10;
	vm0 =	vlt.s32 v10, $0x0;
	[tilespmem:s19+$0x10] =	vst v4  }
0x1b1: {  	v4 =	vxor.u32 $0x80000000, v13;
	v8 =	vxor.u32 $0xFFFFFFFF, v13;
	vm1 =	vlt.s32 v13, $0x0;
	[tilespmem:s19+$0x20] =	vst v9;
	s19 =	smov.u32 s18  }
.Ltmp11:
0x1b2: {  	v6 =	vxor.u32 $0x80000000, v11;
	v9 =	vxor.u32 $0xFFFFFFFF, v11;
	vm2 =	vlt.s32 v11, $0x0;
	(pc) =	sbr.rel @p1 .LBB2_21-.Ltmp11, $4  }
0x1b3: {  	v13 =	vxor.u32 $0x80000000, v14;
	v19 =	vxor.u32 $0xFFFFFFFF, v14;
	vm6 =	vlt.s32 v14, $0x0  }
0x1b4: {  	v10 =	vxor.u32 $0x80000000, v12;
	v11 =	vxor.u32 $0xFFFFFFFF, v12;
	vm3 =	vlt.s32 v12, $0x0  }
0x1b5: {  	v12 =	vsel vm4, v15, v17;
	v14 =	vsel vm6, v13, v19;
	vm6 =	vlt.s32 v13, v3  }
0x1b6: {  	s21 =	sadd.s32 $0x80, s21;
	vm4 =	vlt.s32 v15, v3;
	v13 =	vsel vm5, v16, v18;
	vm5 =	vlt.s32 v16, v3  }
0x1b7: {  	v14 =	vsel vm6, $0x0, v14  }
0x1b8: {  	v12 =	vsel vm4, $0x0, v12;
	[tilespmem:s18+$0xFFFFFFC0] =	vst v14  }
0x1b9: {  	v7 =	vsel vm0, v5, v7;
	vm12 =	vlt.s32 v5, v3;
	v59 =	vsel vm5, $0x0, v13;
	[tilespmem:s18+$0xFFFFFFD0] =	vst v12  }
0x1ba: {  	v8 =	vsel vm1, v4, v8;
	vm13 =	vlt.s32 v4, v3;
	v60 =	vsel vm12, $0x0, v7;
	[tilespmem:s18+$0xFFFFFFE0] =	vst v59  }
.Ltmp12:
0x1bb: {  	v61 =	vsel vm2, v6, v9;
	vm14 =	vlt.s32 v6, v3;
	v62 =	vsel vm13, $0x0, v8;
	[tilespmem:s18+$0xFFFFFFF0] =	vst v60;
	(pc) =	sbr.rel @p0 .LBB2_24-.Ltmp12, $4  }
0x1bc: {  	v63 =	vsel vm3, v10, v11;
	vm15 =	vlt.s32 v10, v3;
	s17 =	sshll.u32 s17, $0x4;
	v3 =	vsel vm14, $0x0, v61;
	[tilespmem:s19+$0x0] =	vst v62  }
0x1bd: {  	v4 =	vsel vm15, $0x0, v63;
	s17 =	sand.u32 $0x70, s17;
	[tilespmem:s19+$0x10] =	vst v3  }
0x1be: {  	[tilespmem:s19+$0x20] =	vst v4;
	s17 =	sadd.s32 s17, s6  }
0x1bf: {  	[hbm4b:s17+s8] =	stream.strided.scatter [tilespmem:s12], [sflag:$0x2], $0x8000, s9, s8, $0x38;
	[tilespmem:$0x18800] =	vst v63  }
.Ltmp13:
0x1c0: {  	(pc) =	sbr.rel .LBB2_2-.Ltmp13, $4  }
0x1c1: {  	_ = 	snop  }
0x1c2: {  	_ =	swait.ge [sflag:s14], $0x8000  }
0x1c3: {  	[sflag:s14] =	ssyncset.done $0x0  }
0x1c4: {  	s16 =	sadd.s32 $0x1, s16;
	[sflag:s14] =	ssyncadd.s32 $0xFFFF8000  }
.LBB2_25:
0x1c5: {  	_ =	sfence.sel $0x180000  }
0x1c6: {  	[bflag:$0x0] =	sbarrier.arrive $0xFFFF  }
0x1c7: {  	p0 =	sne.s32 s3, $0x0;
	_ =	strace $0x90000047  }
0x1c8: {  	s0 =	sadd.s32 @!p0 $0x100000, s0;
	[bflag:$0x2] =	sbarrier.arrive $0xFFFF  }
0x1c9: {  	[sflag:s0] =	ssyncadd.tile.s32 @!p0 $0x1;
	_ =	shalt  }
.Lfunc_end2:
_tile_overlayer_lowered:
.L_overlay_start_2:
0x1ca: {  	(tag) =	ssettag $0x2  }
0x1cb: {  	s0 =	rddreg [dreg:$0x0];
	s2 =	stileid.u32  }
0x1cc: {  	s1 =	rddreg [dreg:$0x1];
	p0 =	sne.s32 s2, $0x0  }
0x1cd: {  	s3 =	rddreg [dreg:$0x2];
	[bflag:$0x3] =	sbarrier.arrive $0xFFFF;
	s2 =	simm.s32 @!p0 $0x1C03  }
0x1ce: {  	[timem:s3], [sflag:s2] =	dma.local @!p0 [hbm:s0], s1  }
0x1cf: {  	s0 =	simm.s32 @!p0 $0x3  }
0x1d0: {  	_ =	swait.ge @!p0 [sflag:s0], s1  }
0x1d1: {  	s1 =	ssub.s32 @!p0 $0x0, s1;
	[sflag:s0] =	ssyncset.done @!p0 $0x0  }
0x1d2: {  	[sflag:s0] =	ssyncadd.s32 @!p0 s1  }
0x1d3: {  	[bflag:$0x3] =	sbarrier.arrive $0xFFFF  }
0x1d4: {  	_ =	shalt  }

</sc_bundles>
